<compile_context>
chip_gen: v7x
topology: tpu7x:2x2x1
jax: 0.10.2.dev20260603
libtpu: 0.0.44.dev20260713+nightly
codegen_flags: <defaults>
</compile_context>

<pallas_src>
import functools

import jax
import jax.numpy as jnp
from jax import lax
from jax.experimental import pallas as pl
from jax.experimental.pallas import tpu as pltpu
from jax.experimental.pallas import tpu_sc as plsc

N = 100000
D = 128
G = 256
NC = 2
NS = 16
NW = NC * NS
CHUNK = 125
CHUNKS_W = 17
ROWS_PER_W = CHUNK * CHUNKS_W
N_SC = NW * ROWS_PER_W
N_TC = N - N_SC
BT = 1000
NBT = N_TC // BT
G_PER_SUB = G // NS

_mesh = plsc.VectorSubcoreMesh(core_axis_name="c", subcore_axis_name="s")


@functools.partial(
    pl.kernel,
    out_type=jax.ShapeDtypeStruct((NC, G, D), jnp.float32),
    mesh=_mesh,
    scratch_types=[
        pltpu.VMEM((CHUNKS_W, CHUNK), jnp.int32),
        pltpu.VMEM((CHUNK, D), jnp.float32),
        pltpu.VMEM((CHUNK, D), jnp.float32),
        pltpu.VMEM((G_PER_SUB, D), jnp.float32),
        pltpu.VMEM_SHARED((G, D), jnp.float32),
        pltpu.SemaphoreType.DMA,
        pltpu.SemaphoreType.DMA,
        pltpu.SemaphoreType.DMA,
        pltpu.SemaphoreType.DMA,
    ],
    compiler_params=pltpu.CompilerParams(use_tc_tiling_on_sc=False),
)
def _segsum_sc(
    feat_hbm, ids_hbm, out_hbm, ids_v, buf0, buf1, zbuf, acc_sh,
    gsem0, gsem1, ssem0, ssem1,
):
    c = lax.axis_index("c")
    s = lax.axis_index("s")
    w = c * NS + s
    base = w * ROWS_PER_W

    def feat_at(j):
        return feat_hbm.at[pl.ds(base + j * CHUNK, CHUNK), :]

    pltpu.async_copy(feat_at(0), buf0, gsem0)
    pltpu.async_copy(feat_at(1), buf1, gsem1)

    zeros = jnp.zeros((16,), jnp.float32)
    for r in range(G_PER_SUB):
        for d in range(D // 16):
            zbuf[r, pl.ds(d * 16, 16)] = zeros
    pltpu.sync_copy(zbuf, acc_sh.at[pl.ds(s * G_PER_SUB, G_PER_SUB)])

    plsc.subcore_barrier()
    pltpu.sync_copy(ids_hbm.at[pl.ds(w * CHUNKS_W, CHUNKS_W)], ids_v)

    npair = CHUNKS_W // 2

    def body(i, carry):
        j0 = 2 * i
        j1 = j0 + 1
        pltpu.make_async_copy(feat_at(j0), buf0, gsem0).wait()
        sc0 = pltpu.async_copy(buf0, acc_sh.at[ids_v.at[j0]], ssem0, add=True)
        pltpu.make_async_copy(feat_at(j1), buf1, gsem1).wait()
        sc1 = pltpu.async_copy(buf1, acc_sh.at[ids_v.at[j1]], ssem1, add=True)
        sc0.wait()

        @pl.when(j0 + 2 < CHUNKS_W)
        def _():
            pltpu.async_copy(feat_at(j0 + 2), buf0, gsem0)

        sc1.wait()

        @pl.when(j1 + 2 < CHUNKS_W)
        def _():
            pltpu.async_copy(feat_at(j1 + 2), buf1, gsem1)

        return carry

    lax.fori_loop(0, npair, body, 0)

    last = CHUNKS_W - 1
    pltpu.make_async_copy(feat_at(last), buf0, gsem0).wait()
    pltpu.sync_copy(buf0, acc_sh.at[ids_v.at[last]], add=True)

    plsc.subcore_barrier()
    pltpu.sync_copy(
        acc_sh.at[pl.ds(s * G_PER_SUB, G_PER_SUB)],
        out_hbm.at[c, pl.ds(s * G_PER_SUB, G_PER_SUB), :],
    )


def _tc_body(ids_ref, feat_ref, o_ref):
    i = pl.program_id(0)
    blk = feat_ref[...]
    idb = ids_ref[0, 0, :]
    onehot = (
        lax.broadcasted_iota(jnp.int32, (BT, G), 1) == idb[:, None]
    ).astype(jnp.float32)
    part = lax.dot_general(
        onehot, blk, (((0,), (0,)), ((), ())),
        preferred_element_type=jnp.float32,
    )

    @pl.when(i == 0)
    def _():
        o_ref[...] = part

    @pl.when(i > 0)
    def _():
        o_ref[...] += part


_tc_segsum = pl.pallas_call(
    _tc_body,
    grid=(NBT,),
    in_specs=[
        pl.BlockSpec((1, 1, BT), lambda i: (N_SC // BT + i, 0, 0)),
        pl.BlockSpec((BT, D), lambda i: (N_SC // BT + i, 0)),
    ],
    out_specs=pl.BlockSpec((G, D), lambda i: (0, 0)),
    out_shape=jax.ShapeDtypeStruct((G, D), jnp.float32),
)


def _combine_body(p_ref, t_ref, o_ref):
    o_ref[...] = p_ref[0] + p_ref[1] + t_ref[...]


_combine = pl.pallas_call(
    _combine_body,
    out_shape=jax.ShapeDtypeStruct((G, D), jnp.float32),
)


def kernel(feat, segment_ids, num_segments):
    del num_segments
    ids = segment_ids.astype(jnp.int32)
    ids_sc = ids[:N_SC].reshape(NW * CHUNKS_W, CHUNK)
    ids_tc = ids.reshape(N // BT, 1, BT)
    sc_partials = _segsum_sc(feat, ids_sc)
    tc_partial = _tc_segsum(ids_tc, feat)
    return _combine(sc_partials, tc_partial)

# --- scband reference (transcript-rebuilt; emitter-appended) ---
"""Pipeline reference for scband-sum-pooling-23957327577917 (READ-ONLY COPY).

The authoritative reference and input builder live on the scoring server;
editing this copy changes nothing except your own understanding.
"""

import jax, jax.numpy as jnp
import numpy as np


def setup_inputs(seed: int = 0) -> dict:
    key = jax.random.key(seed)
    k1, k2 = jax.random.split(key)
    N = 100000
    D = 128
    G = 256
    feat = jax.random.normal(k1, (N, D), dtype=jnp.float32)
    segment_ids = jnp.sort(jax.random.randint(k2, (N,), 0, G, dtype=jnp.int64))
    return {"feat": feat, "segment_ids": segment_ids, "num_segments": G}


def reference(feat, segment_ids, num_segments):
    # DGL SumPooling: readout = sum of node features per graph in the batch.
    # For a batched graph, node ownership is given by sorted segment (graph) ids.
    G = 256
    segment_ids = segment_ids + (num_segments - num_segments)
    readout = jax.ops.segment_sum(
        feat, segment_ids, num_segments=G, indices_are_sorted=True
    )
    return readout

if __name__ == "__main__":
    import jax
    _d = setup_inputs()
    print(jax.jit(kernel)(*tuple(_d.values())))

</pallas_src>

<mosaic_0001>
#map = affine_map<(d0, d1) -> (0, 0)>
#map1 = affine_map<(d0, d1) -> (0, 0, 0)>
module attributes {stable_mosaic.version = 14 : i64} {
  func.func @_segsum_sc(%arg0: i32, %arg1: i32, %arg2: memref<100000x128xf32, #tpu.memory_space<hbm>>, %arg3: memref<544x125xi32, #tpu.memory_space<hbm>>, %arg4: memref<2x256x128xf32, #tpu.memory_space<hbm>>, %arg5: memref<17x125xi32, #tpu.memory_space<vmem>>, %arg6: memref<125x128xf32, #tpu.memory_space<vmem>>, %arg7: memref<125x128xf32, #tpu.memory_space<vmem>>, %arg8: memref<16x128xf32, #tpu.memory_space<vmem>>, %arg9: memref<256x128xf32, #tpu.memory_space<vmem_shared>>, %arg10: memref<!tpu.dma_semaphore, #tpu.memory_space<semaphore_mem>>, %arg11: memref<!tpu.dma_semaphore, #tpu.memory_space<semaphore_mem>>, %arg12: memref<!tpu.dma_semaphore, #tpu.memory_space<semaphore_mem>>, %arg13: memref<!tpu.dma_semaphore, #tpu.memory_space<semaphore_mem>>) attributes {dimension_semantics = [#tpu.dimension_semantics<core_parallel>, #tpu.dimension_semantics<subcore_parallel>], iteration_bounds = array<i64: 2, 16>, scalar_prefetch = 0 : i64, scratch_operands = 9 : i64, tpu.core_type = #tpu.core_type<sc_vector_subcore>, window_params = [{transform_indices = #map}, {transform_indices = #map}, {transform_indices = #map1}]} {
    %mul3A = arith.constant 16 : i32
    %mul3A_0 = arith.muli %arg0, %mul3A : i32
    %add3A = arith.addi %mul3A_0, %arg1 : i32
    %mul3A_1 = arith.constant 2125 : i32
    %mul3A_2 = arith.muli %add3A, %mul3A_1 : i32
    %add3A_3 = arith.constant 0 : i32
    %add3A_4 = arith.addi %mul3A_2, %add3A_3 : i32
    %dma_start3A = arith.constant 0 : i32
    %dma_start3A_5 = tpu.memref_slice %arg2[%add3A_4, %dma_start3A] : memref<100000x128xf32, #tpu.memory_space<hbm>> -> memref<125x128xf32, #tpu.memory_space<hbm>>
    %dma_start3A_6 = arith.constant 0 : i32
    %dma_start3A_7 = tpu.memref_slice %arg2[%add3A_4, %dma_start3A_6] : memref<100000x128xf32, #tpu.memory_space<hbm>> -> memref<125x128xf32, #tpu.memory_space<hbm>>
    tpu.enqueue_dma source(%dma_start3A_7 : memref<125x128xf32, #tpu.memory_space<hbm>>) target(%arg6 : memref<125x128xf32, #tpu.memory_space<vmem>>) target_semaphore(%arg10 : memref<!tpu.dma_semaphore, #tpu.memory_space<semaphore_mem>>)
    %add3A_8 = arith.constant 125 : i32
    %add3A_9 = arith.addi %mul3A_2, %add3A_8 : i32
    %dma_start3A_10 = arith.constant 0 : i32
    %dma_start3A_11 = tpu.memref_slice %arg2[%add3A_9, %dma_start3A_10] : memref<100000x128xf32, #tpu.memory_space<hbm>> -> memref<125x128xf32, #tpu.memory_space<hbm>>
    %dma_start3A_12 = arith.constant 0 : i32
    %dma_start3A_13 = tpu.memref_slice %arg2[%add3A_9, %dma_start3A_12] : memref<100000x128xf32, #tpu.memory_space<hbm>> -> memref<125x128xf32, #tpu.memory_space<hbm>>
    tpu.enqueue_dma source(%dma_start3A_13 : memref<125x128xf32, #tpu.memory_space<hbm>>) target(%arg7 : memref<125x128xf32, #tpu.memory_space<vmem>>) target_semaphore(%arg11 : memref<!tpu.dma_semaphore, #tpu.memory_space<semaphore_mem>>)
    %broadcast_in_dim3A = arith.constant 0.000000e+00 : f32
    %broadcast_in_dim3A_14 = vector.broadcast %broadcast_in_dim3A : f32 to vector<16xf32>
    %swap3A = arith.constant 0 : i32
    %swap3A_15 = arith.index_cast %swap3A : i32 to index
    %swap3A_16 = arith.constant 0 : index
    %swap3A_17 = tpu.vector_load %arg8[%swap3A_15, %swap3A_16] {strides = array<i32>} : memref<16x128xf32, #tpu.memory_space<vmem>>, vector<1x16xf32>,
    %swap3A_18 = vector.shape_cast %swap3A_17 : vector<1x16xf32> to vector<16xf32>
    %swap3A_19 = vector.shape_cast %broadcast_in_dim3A_14 : vector<16xf32> to vector<1x16xf32>
    tpu.vector_store %arg8[%swap3A_15, %swap3A_16], %swap3A_19 {strides = array<i32>} : memref<16x128xf32, #tpu.memory_space<vmem>>, vector<1x16xf32>,
    %swap3A_20 = arith.constant 0 : i32
    %swap3A_21 = arith.index_cast %swap3A_20 : i32 to index
    %swap3A_22 = arith.constant 16 : index
    %swap3A_23 = tpu.vector_load %arg8[%swap3A_21, %swap3A_22] {strides = array<i32>} : memref<16x128xf32, #tpu.memory_space<vmem>>, vector<1x16xf32>,
    %swap3A_24 = vector.shape_cast %swap3A_23 : vector<1x16xf32> to vector<16xf32>
    %swap3A_25 = vector.shape_cast %broadcast_in_dim3A_14 : vector<16xf32> to vector<1x16xf32>
    tpu.vector_store %arg8[%swap3A_21, %swap3A_22], %swap3A_25 {strides = array<i32>} : memref<16x128xf32, #tpu.memory_space<vmem>>, vector<1x16xf32>,
    %swap3A_26 = arith.constant 0 : i32
    %swap3A_27 = arith.index_cast %swap3A_26 : i32 to index
    %swap3A_28 = arith.constant 32 : index
    %swap3A_29 = tpu.vector_load %arg8[%swap3A_27, %swap3A_28] {strides = array<i32>} : memref<16x128xf32, #tpu.memory_space<vmem>>, vector<1x16xf32>,
    %swap3A_30 = vector.shape_cast %swap3A_29 : vector<1x16xf32> to vector<16xf32>
    %swap3A_31 = vector.shape_cast %broadcast_in_dim3A_14 : vector<16xf32> to vector<1x16xf32>
    tpu.vector_store %arg8[%swap3A_27, %swap3A_28], %swap3A_31 {strides = array<i32>} : memref<16x128xf32, #tpu.memory_space<vmem>>, vector<1x16xf32>,
    %swap3A_32 = arith.constant 0 : i32
    %swap3A_33 = arith.index_cast %swap3A_32 : i32 to index
    %swap3A_34 = arith.constant 48 : index
    %swap3A_35 = tpu.vector_load %arg8[%swap3A_33, %swap3A_34] {strides = array<i32>} : memref<16x128xf32, #tpu.memory_space<vmem>>, vector<1x16xf32>,
    %swap3A_36 = vector.shape_cast %swap3A_35 : vector<1x16xf32> to vector<16xf32>
    %swap3A_37 = vector.shape_cast %broadcast_in_dim3A_14 : vector<16xf32> to vector<1x16xf32>
    tpu.vector_store %arg8[%swap3A_33, %swap3A_34], %swap3A_37 {strides = array<i32>} : memref<16x128xf32, #tpu.memory_space<vmem>>, vector<1x16xf32>,
    %swap3A_38 = arith.constant 0 : i32
    %swap3A_39 = arith.index_cast %swap3A_38 : i32 to index
    %swap3A_40 = arith.constant 64 : index
    %swap3A_41 = tpu.vector_load %arg8[%swap3A_39, %swap3A_40] {strides = array<i32>} : memref<16x128xf32, #tpu.memory_space<vmem>>, vector<1x16xf32>,
    %swap3A_42 = vector.shape_cast %swap3A_41 : vector<1x16xf32> to vector<16xf32>
    %swap3A_43 = vector.shape_cast %broadcast_in_dim3A_14 : vector<16xf32> to vector<1x16xf32>
    tpu.vector_store %arg8[%swap3A_39, %swap3A_40], %swap3A_43 {strides = array<i32>} : memref<16x128xf32, #tpu.memory_space<vmem>>, vector<1x16xf32>,
    %swap3A_44 = arith.constant 0 : i32
    %swap3A_45 = arith.index_cast %swap3A_44 : i32 to index
    %swap3A_46 = arith.constant 80 : index
    %swap3A_47 = tpu.vector_load %arg8[%swap3A_45, %swap3A_46] {strides = array<i32>} : memref<16x128xf32, #tpu.memory_space<vmem>>, vector<1x16xf32>,
    %swap3A_48 = vector.shape_cast %swap3A_47 : vector<1x16xf32> to vector<16xf32>
    %swap3A_49 = vector.shape_cast %broadcast_in_dim3A_14 : vector<16xf32> to vector<1x16xf32>
    tpu.vector_store %arg8[%swap3A_45, %swap3A_46], %swap3A_49 {strides = array<i32>} : memref<16x128xf32, #tpu.memory_space<vmem>>, vector<1x16xf32>,
    %swap3A_50 = arith.constant 0 : i32
    %swap3A_51 = arith.index_cast %swap3A_50 : i32 to index
    %swap3A_52 = arith.constant 96 : index
    %swap3A_53 = tpu.vector_load %arg8[%swap3A_51, %swap3A_52] {strides = array<i32>} : memref<16x128xf32, #tpu.memory_space<vmem>>, vector<1x16xf32>,
    %swap3A_54 = vector.shape_cast %swap3A_53 : vector<1x16xf32> to vector<16xf32>
    %swap3A_55 = vector.shape_cast %broadcast_in_dim3A_14 : vector<16xf32> to vector<1x16xf32>
    tpu.vector_store %arg8[%swap3A_51, %swap3A_52], %swap3A_55 {strides = array<i32>} : memref<16x128xf32, #tpu.memory_space<vmem>>, vector<1x16xf32>,
    %swap3A_56 = arith.constant 0 : i32
    %swap3A_57 = arith.index_cast %swap3A_56 : i32 to index
    %swap3A_58 = arith.constant 112 : index
    %swap3A_59 = tpu.vector_load %arg8[%swap3A_57, %swap3A_58] {strides = array<i32>} : memref<16x128xf32, #tpu.memory_space<vmem>>, vector<1x16xf32>,
    %swap3A_60 = vector.shape_cast %swap3A_59 : vector<1x16xf32> to vector<16xf32>
    %swap3A_61 = vector.shape_cast %broadcast_in_dim3A_14 : vector<16xf32> to vector<1x16xf32>
    tpu.vector_store %arg8[%swap3A_57, %swap3A_58], %swap3A_61 {strides = array<i32>} : memref<16x128xf32, #tpu.memory_space<vmem>>, vector<1x16xf32>,
    %swap3A_62 = arith.constant 1 : i32
    %swap3A_63 = arith.index_cast %swap3A_62 : i32 to index
    %swap3A_64 = arith.constant 0 : index
    %swap3A_65 = tpu.vector_load %arg8[%swap3A_63, %swap3A_64] {strides = array<i32>} : memref<16x128xf32, #tpu.memory_space<vmem>>, vector<1x16xf32>,
    %swap3A_66 = vector.shape_cast %swap3A_65 : vector<1x16xf32> to vector<16xf32>
    %swap3A_67 = vector.shape_cast %broadcast_in_dim3A_14 : vector<16xf32> to vector<1x16xf32>
    tpu.vector_store %arg8[%swap3A_63, %swap3A_64], %swap3A_67 {strides = array<i32>} : memref<16x128xf32, #tpu.memory_space<vmem>>, vector<1x16xf32>,
    %swap3A_68 = arith.constant 1 : i32
    %swap3A_69 = arith.index_cast %swap3A_68 : i32 to index
    %swap3A_70 = arith.constant 16 : index
    %swap3A_71 = tpu.vector_load %arg8[%swap3A_69, %swap3A_70] {strides = array<i32>} : memref<16x128xf32, #tpu.memory_space<vmem>>, vector<1x16xf32>,
    %swap3A_72 = vector.shape_cast %swap3A_71 : vector<1x16xf32> to vector<16xf32>
    %swap3A_73 = vector.shape_cast %broadcast_in_dim3A_14 : vector<16xf32> to vector<1x16xf32>
    tpu.vector_store %arg8[%swap3A_69, %swap3A_70], %swap3A_73 {strides = array<i32>} : memref<16x128xf32, #tpu.memory_space<vmem>>, vector<1x16xf32>,
    %swap3A_74 = arith.constant 1 : i32
    %swap3A_75 = arith.index_cast %swap3A_74 : i32 to index
    %swap3A_76 = arith.constant 32 : index
    %swap3A_77 = tpu.vector_load %arg8[%swap3A_75, %swap3A_76] {strides = array<i32>} : memref<16x128xf32, #tpu.memory_space<vmem>>, vector<1x16xf32>,
    %swap3A_78 = vector.shape_cast %swap3A_77 : vector<1x16xf32> to vector<16xf32>
    %swap3A_79 = vector.shape_cast %broadcast_in_dim3A_14 : vector<16xf32> to vector<1x16xf32>
    tpu.vector_store %arg8[%swap3A_75, %swap3A_76], %swap3A_79 {strides = array<i32>} : memref<16x128xf32, #tpu.memory_space<vmem>>, vector<1x16xf32>,
    %swap3A_80 = arith.constant 1 : i32
    %swap3A_81 = arith.index_cast %swap3A_80 : i32 to index
    %swap3A_82 = arith.constant 48 : index
    %swap3A_83 = tpu.vector_load %arg8[%swap3A_81, %swap3A_82] {strides = array<i32>} : memref<16x128xf32, #tpu.memory_space<vmem>>, vector<1x16xf32>,
    %swap3A_84 = vector.shape_cast %swap3A_83 : vector<1x16xf32> to vector<16xf32>
    %swap3A_85 = vector.shape_cast %broadcast_in_dim3A_14 : vector<16xf32> to vector<1x16xf32>
    tpu.vector_store %arg8[%swap3A_81, %swap3A_82], %swap3A_85 {strides = array<i32>} : memref<16x128xf32, #tpu.memory_space<vmem>>, vector<1x16xf32>,
    %swap3A_86 = arith.constant 1 : i32
    %swap3A_87 = arith.index_cast %swap3A_86 : i32 to index
    %swap3A_88 = arith.constant 64 : index
    %swap3A_89 = tpu.vector_load %arg8[%swap3A_87, %swap3A_88] {strides = array<i32>} : memref<16x128xf32, #tpu.memory_space<vmem>>, vector<1x16xf32>,
    %swap3A_90 = vector.shape_cast %swap3A_89 : vector<1x16xf32> to vector<16xf32>
    %swap3A_91 = vector.shape_cast %broadcast_in_dim3A_14 : vector<16xf32> to vector<1x16xf32>
    tpu.vector_store %arg8[%swap3A_87, %swap3A_88], %swap3A_91 {strides = array<i32>} : memref<16x128xf32, #tpu.memory_space<vmem>>, vector<1x16xf32>,
    %swap3A_92 = arith.constant 1 : i32
    %swap3A_93 = arith.index_cast %swap3A_92 : i32 to index
    %swap3A_94 = arith.constant 80 : index
    %swap3A_95 = tpu.vector_load %arg8[%swap3A_93, %swap3A_94] {strides = array<i32>} : memref<16x128xf32, #tpu.memory_space<vmem>>, vector<1x16xf32>,
    %swap3A_96 = vector.shape_cast %swap3A_95 : vector<1x16xf32> to vector<16xf32>
    %swap3A_97 = vector.shape_cast %broadcast_in_dim3A_14 : vector<16xf32> to vector<1x16xf32>
    tpu.vector_store %arg8[%swap3A_93, %swap3A_94], %swap3A_97 {strides = array<i32>} : memref<16x128xf32, #tpu.memory_space<vmem>>, vector<1x16xf32>,
    %swap3A_98 = arith.constant 1 : i32
    %swap3A_99 = arith.index_cast %swap3A_98 : i32 to index
    %swap3A_100 = arith.constant 96 : index
    %swap3A_101 = tpu.vector_load %arg8[%swap3A_99, %swap3A_100] {strides = array<i32>} : memref<16x128xf32, #tpu.memory_space<vmem>>, vector<1x16xf32>,
    %swap3A_102 = vector.shape_cast %swap3A_101 : vector<1x16xf32> to vector<16xf32>
    %swap3A_103 = vector.shape_cast %broadcast_in_dim3A_14 : vector<16xf32> to vector<1x16xf32>
    tpu.vector_store %arg8[%swap3A_99, %swap3A_100], %swap3A_103 {strides = array<i32>} : memref<16x128xf32, #tpu.memory_space<vmem>>, vector<1x16xf32>,
    %swap3A_104 = arith.constant 1 : i32
    %swap3A_105 = arith.index_cast %swap3A_104 : i32 to index
    %swap3A_106 = arith.constant 112 : index
    %swap3A_107 = tpu.vector_load %arg8[%swap3A_105, %swap3A_106] {strides = array<i32>} : memref<16x128xf32, #tpu.memory_space<vmem>>, vector<1x16xf32>,
    %swap3A_108 = vector.shape_cast %swap3A_107 : vector<1x16xf32> to vector<16xf32>
    %swap3A_109 = vector.shape_cast %broadcast_in_dim3A_14 : vector<16xf32> to vector<1x16xf32>
    tpu.vector_store %arg8[%swap3A_105, %swap3A_106], %swap3A_109 {strides = array<i32>} : memref<16x128xf32, #tpu.memory_space<vmem>>, vector<1x16xf32>,
    %swap3A_110 = arith.constant 2 : i32
    %swap3A_111 = arith.index_cast %swap3A_110 : i32 to index
    %swap3A_112 = arith.constant 0 : index
    %swap3A_113 = tpu.vector_load %arg8[%swap3A_111, %swap3A_112] {strides = array<i32>} : memref<16x128xf32, #tpu.memory_space<vmem>>, vector<1x16xf32>,
    %swap3A_114 = vector.shape_cast %swap3A_113 : vector<1x16xf32> to vector<16xf32>
    %swap3A_115 = vector.shape_cast %broadcast_in_dim3A_14 : vector<16xf32> to vector<1x16xf32>
    tpu.vector_store %arg8[%swap3A_111, %swap3A_112], %swap3A_115 {strides = array<i32>} : memref<16x128xf32, #tpu.memory_space<vmem>>, vector<1x16xf32>,
    %swap3A_116 = arith.constant 2 : i32
    %swap3A_117 = arith.index_cast %swap3A_116 : i32 to index
    %swap3A_118 = arith.constant 16 : index
    %swap3A_119 = tpu.vector_load %arg8[%swap3A_117, %swap3A_118] {strides = array<i32>} : memref<16x128xf32, #tpu.memory_space<vmem>>, vector<1x16xf32>,
    %swap3A_120 = vector.shape_cast %swap3A_119 : vector<1x16xf32> to vector<16xf32>
    %swap3A_121 = vector.shape_cast %broadcast_in_dim3A_14 : vector<16xf32> to vector<1x16xf32>
    tpu.vector_store %arg8[%swap3A_117, %swap3A_118], %swap3A_121 {strides = array<i32>} : memref<16x128xf32, #tpu.memory_space<vmem>>, vector<1x16xf32>,
    %swap3A_122 = arith.constant 2 : i32
    %swap3A_123 = arith.index_cast %swap3A_122 : i32 to index
    %swap3A_124 = arith.constant 32 : index
    %swap3A_125 = tpu.vector_load %arg8[%swap3A_123, %swap3A_124] {strides = array<i32>} : memref<16x128xf32, #tpu.memory_space<vmem>>, vector<1x16xf32>,
    %swap3A_126 = vector.shape_cast %swap3A_125 : vector<1x16xf32> to vector<16xf32>
    %swap3A_127 = vector.shape_cast %broadcast_in_dim3A_14 : vector<16xf32> to vector<1x16xf32>
    tpu.vector_store %arg8[%swap3A_123, %swap3A_124], %swap3A_127 {strides = array<i32>} : memref<16x128xf32, #tpu.memory_space<vmem>>, vector<1x16xf32>,
    %swap3A_128 = arith.constant 2 : i32
    %swap3A_129 = arith.index_cast %swap3A_128 : i32 to index
    %swap3A_130 = arith.constant 48 : index
    %swap3A_131 = tpu.vector_load %arg8[%swap3A_129, %swap3A_130] {strides = array<i32>} : memref<16x128xf32, #tpu.memory_space<vmem>>, vector<1x16xf32>,
    %swap3A_132 = vector.shape_cast %swap3A_131 : vector<1x16xf32> to vector<16xf32>
    %swap3A_133 = vector.shape_cast %broadcast_in_dim3A_14 : vector<16xf32> to vector<1x16xf32>
    tpu.vector_store %arg8[%swap3A_129, %swap3A_130], %swap3A_133 {strides = array<i32>} : memref<16x128xf32, #tpu.memory_space<vmem>>, vector<1x16xf32>,
    %swap3A_134 = arith.constant 2 : i32
    %swap3A_135 = arith.index_cast %swap3A_134 : i32 to index
    %swap3A_136 = arith.constant 64 : index
    %swap3A_137 = tpu.vector_load %arg8[%swap3A_135, %swap3A_136] {strides = array<i32>} : memref<16x128xf32, #tpu.memory_space<vmem>>, vector<1x16xf32>,
    %swap3A_138 = vector.shape_cast %swap3A_137 : vector<1x16xf32> to vector<16xf32>
    %swap3A_139 = vector.shape_cast %broadcast_in_dim3A_14 : vector<16xf32> to vector<1x16xf32>
    tpu.vector_store %arg8[%swap3A_135, %swap3A_136], %swap3A_139 {strides = array<i32>} : memref<16x128xf32, #tpu.memory_space<vmem>>, vector<1x16xf32>,
    %swap3A_140 = arith.constant 2 : i32
    %swap3A_141 = arith.index_cast %swap3A_140 : i32 to index
    %swap3A_142 = arith.constant 80 : index
    %swap3A_143 = tpu.vector_load %arg8[%swap3A_141, %swap3A_142] {strides = array<i32>} : memref<16x128xf32, #tpu.memory_space<vmem>>, vector<1x16xf32>,
    %swap3A_144 = vector.shape_cast %swap3A_143 : vector<1x16xf32> to vector<16xf32>
    %swap3A_145 = vector.shape_cast %broadcast_in_dim3A_14 : vector<16xf32> to vector<1x16xf32>
    tpu.vector_store %arg8[%swap3A_141, %swap3A_142], %swap3A_145 {strides = array<i32>} : memref<16x128xf32, #tpu.memory_space<vmem>>, vector<1x16xf32>,
    %swap3A_146 = arith.constant 2 : i32
    %swap3A_147 = arith.index_cast %swap3A_146 : i32 to index
    %swap3A_148 = arith.constant 96 : index
    %swap3A_149 = tpu.vector_load %arg8[%swap3A_147, %swap3A_148] {strides = array<i32>} : memref<16x128xf32, #tpu.memory_space<vmem>>, vector<1x16xf32>,
    %swap3A_150 = vector.shape_cast %swap3A_149 : vector<1x16xf32> to vector<16xf32>
    %swap3A_151 = vector.shape_cast %broadcast_in_dim3A_14 : vector<16xf32> to vector<1x16xf32>
    tpu.vector_store %arg8[%swap3A_147, %swap3A_148], %swap3A_151 {strides = array<i32>} : memref<16x128xf32, #tpu.memory_space<vmem>>, vector<1x16xf32>,
    %swap3A_152 = arith.constant 2 : i32
    %swap3A_153 = arith.index_cast %swap3A_152 : i32 to index
    %swap3A_154 = arith.constant 112 : index
    %swap3A_155 = tpu.vector_load %arg8[%swap3A_153, %swap3A_154] {strides = array<i32>} : memref<16x128xf32, #tpu.memory_space<vmem>>, vector<1x16xf32>,
    %swap3A_156 = vector.shape_cast %swap3A_155 : vector<1x16xf32> to vector<16xf32>
    %swap3A_157 = vector.shape_cast %broadcast_in_dim3A_14 : vector<16xf32> to vector<1x16xf32>
    tpu.vector_store %arg8[%swap3A_153, %swap3A_154], %swap3A_157 {strides = array<i32>} : memref<16x128xf32, #tpu.memory_space<vmem>>, vector<1x16xf32>,
    %swap3A_158 = arith.constant 3 : i32
    %swap3A_159 = arith.index_cast %swap3A_158 : i32 to index
    %swap3A_160 = arith.constant 0 : index
    %swap3A_161 = tpu.vector_load %arg8[%swap3A_159, %swap3A_160] {strides = array<i32>} : memref<16x128xf32, #tpu.memory_space<vmem>>, vector<1x16xf32>,
    %swap3A_162 = vector.shape_cast %swap3A_161 : vector<1x16xf32> to vector<16xf32>
    %swap3A_163 = vector.shape_cast %broadcast_in_dim3A_14 : vector<16xf32> to vector<1x16xf32>
    tpu.vector_store %arg8[%swap3A_159, %swap3A_160], %swap3A_163 {strides = array<i32>} : memref<16x128xf32, #tpu.memory_space<vmem>>, vector<1x16xf32>,
    %swap3A_164 = arith.constant 3 : i32
    %swap3A_165 = arith.index_cast %swap3A_164 : i32 to index
    %swap3A_166 = arith.constant 16 : index
    %swap3A_167 = tpu.vector_load %arg8[%swap3A_165, %swap3A_166] {strides = array<i32>} : memref<16x128xf32, #tpu.memory_space<vmem>>, vector<1x16xf32>,
    %swap3A_168 = vector.shape_cast %swap3A_167 : vector<1x16xf32> to vector<16xf32>
    %swap3A_169 = vector.shape_cast %broadcast_in_dim3A_14 : vector<16xf32> to vector<1x16xf32>
    tpu.vector_store %arg8[%swap3A_165, %swap3A_166], %swap3A_169 {strides = array<i32>} : memref<16x128xf32, #tpu.memory_space<vmem>>, vector<1x16xf32>,
    %swap3A_170 = arith.constant 3 : i32
    %swap3A_171 = arith.index_cast %swap3A_170 : i32 to index
    %swap3A_172 = arith.constant 32 : index
    %swap3A_173 = tpu.vector_load %arg8[%swap3A_171, %swap3A_172] {strides = array<i32>} : memref<16x128xf32, #tpu.memory_space<vmem>>, vector<1x16xf32>,
    %swap3A_174 = vector.shape_cast %swap3A_173 : vector<1x16xf32> to vector<16xf32>
    %swap3A_175 = vector.shape_cast %broadcast_in_dim3A_14 : vector<16xf32> to vector<1x16xf32>
    tpu.vector_store %arg8[%swap3A_171, %swap3A_172], %swap3A_175 {strides = array<i32>} : memref<16x128xf32, #tpu.memory_space<vmem>>, vector<1x16xf32>,
    %swap3A_176 = arith.constant 3 : i32
    %swap3A_177 = arith.index_cast %swap3A_176 : i32 to index
    %swap3A_178 = arith.constant 48 : index
    %swap3A_179 = tpu.vector_load %arg8[%swap3A_177, %swap3A_178] {strides = array<i32>} : memref<16x128xf32, #tpu.memory_space<vmem>>, vector<1x16xf32>,
    %swap3A_180 = vector.shape_cast %swap3A_179 : vector<1x16xf32> to vector<16xf32>
    %swap3A_181 = vector.shape_cast %broadcast_in_dim3A_14 : vector<16xf32> to vector<1x16xf32>
    tpu.vector_store %arg8[%swap3A_177, %swap3A_178], %swap3A_181 {strides = array<i32>} : memref<16x128xf32, #tpu.memory_space<vmem>>, vector<1x16xf32>,
    %swap3A_182 = arith.constant 3 : i32
    %swap3A_183 = arith.index_cast %swap3A_182 : i32 to index
    %swap3A_184 = arith.constant 64 : index
    %swap3A_185 = tpu.vector_load %arg8[%swap3A_183, %swap3A_184] {strides = array<i32>} : memref<16x128xf32, #tpu.memory_space<vmem>>, vector<1x16xf32>,
    %swap3A_186 = vector.shape_cast %swap3A_185 : vector<1x16xf32> to vector<16xf32>
    %swap3A_187 = vector.shape_cast %broadcast_in_dim3A_14 : vector<16xf32> to vector<1x16xf32>
    tpu.vector_store %arg8[%swap3A_183, %swap3A_184], %swap3A_187 {strides = array<i32>} : memref<16x128xf32, #tpu.memory_space<vmem>>, vector<1x16xf32>,
    %swap3A_188 = arith.constant 3 : i32
    %swap3A_189 = arith.index_cast %swap3A_188 : i32 to index
    %swap3A_190 = arith.constant 80 : index
    %swap3A_191 = tpu.vector_load %arg8[%swap3A_189, %swap3A_190] {strides = array<i32>} : memref<16x128xf32, #tpu.memory_space<vmem>>, vector<1x16xf32>,
    %swap3A_192 = vector.shape_cast %swap3A_191 : vector<1x16xf32> to vector<16xf32>
    %swap3A_193 = vector.shape_cast %broadcast_in_dim3A_14 : vector<16xf32> to vector<1x16xf32>
    tpu.vector_store %arg8[%swap3A_189, %swap3A_190], %swap3A_193 {strides = array<i32>} : memref<16x128xf32, #tpu.memory_space<vmem>>, vector<1x16xf32>,
    %swap3A_194 = arith.constant 3 : i32
    %swap3A_195 = arith.index_cast %swap3A_194 : i32 to index
    %swap3A_196 = arith.constant 96 : index
    %swap3A_197 = tpu.vector_load %arg8[%swap3A_195, %swap3A_196] {strides = array<i32>} : memref<16x128xf32, #tpu.memory_space<vmem>>, vector<1x16xf32>,
    %swap3A_198 = vector.shape_cast %swap3A_197 : vector<1x16xf32> to vector<16xf32>
    %swap3A_199 = vector.shape_cast %broadcast_in_dim3A_14 : vector<16xf32> to vector<1x16xf32>
    tpu.vector_store %arg8[%swap3A_195, %swap3A_196], %swap3A_199 {strides = array<i32>} : memref<16x128xf32, #tpu.memory_space<vmem>>, vector<1x16xf32>,
    %swap3A_200 = arith.constant 3 : i32
    %swap3A_201 = arith.index_cast %swap3A_200 : i32 to index
    %swap3A_202 = arith.constant 112 : index
    %swap3A_203 = tpu.vector_load %arg8[%swap3A_201, %swap3A_202] {strides = array<i32>} : memref<16x128xf32, #tpu.memory_space<vmem>>, vector<1x16xf32>,
    %swap3A_204 = vector.shape_cast %swap3A_203 : vector<1x16xf32> to vector<16xf32>
    %swap3A_205 = vector.shape_cast %broadcast_in_dim3A_14 : vector<16xf32> to vector<1x16xf32>
    tpu.vector_store %arg8[%swap3A_201, %swap3A_202], %swap3A_205 {strides = array<i32>} : memref<16x128xf32, #tpu.memory_space<vmem>>, vector<1x16xf32>,
    %swap3A_206 = arith.constant 4 : i32
    %swap3A_207 = arith.index_cast %swap3A_206 : i32 to index
    %swap3A_208 = arith.constant 0 : index
    %swap3A_209 = tpu.vector_load %arg8[%swap3A_207, %swap3A_208] {strides = array<i32>} : memref<16x128xf32, #tpu.memory_space<vmem>>, vector<1x16xf32>,
    %swap3A_210 = vector.shape_cast %swap3A_209 : vector<1x16xf32> to vector<16xf32>
    %swap3A_211 = vector.shape_cast %broadcast_in_dim3A_14 : vector<16xf32> to vector<1x16xf32>
    tpu.vector_store %arg8[%swap3A_207, %swap3A_208], %swap3A_211 {strides = array<i32>} : memref<16x128xf32, #tpu.memory_space<vmem>>, vector<1x16xf32>,
    %swap3A_212 = arith.constant 4 : i32
    %swap3A_213 = arith.index_cast %swap3A_212 : i32 to index
    %swap3A_214 = arith.constant 16 : index
    %swap3A_215 = tpu.vector_load %arg8[%swap3A_213, %swap3A_214] {strides = array<i32>} : memref<16x128xf32, #tpu.memory_space<vmem>>, vector<1x16xf32>,
    %swap3A_216 = vector.shape_cast %swap3A_215 : vector<1x16xf32> to vector<16xf32>
    %swap3A_217 = vector.shape_cast %broadcast_in_dim3A_14 : vector<16xf32> to vector<1x16xf32>
    tpu.vector_store %arg8[%swap3A_213, %swap3A_214], %swap3A_217 {strides = array<i32>} : memref<16x128xf32, #tpu.memory_space<vmem>>, vector<1x16xf32>,
    %swap3A_218 = arith.constant 4 : i32
    %swap3A_219 = arith.index_cast %swap3A_218 : i32 to index
    %swap3A_220 = arith.constant 32 : index
    %swap3A_221 = tpu.vector_load %arg8[%swap3A_219, %swap3A_220] {strides = array<i32>} : memref<16x128xf32, #tpu.memory_space<vmem>>, vector<1x16xf32>,
    %swap3A_222 = vector.shape_cast %swap3A_221 : vector<1x16xf32> to vector<16xf32>
    %swap3A_223 = vector.shape_cast %broadcast_in_dim3A_14 : vector<16xf32> to vector<1x16xf32>
    tpu.vector_store %arg8[%swap3A_219, %swap3A_220], %swap3A_223 {strides = array<i32>} : memref<16x128xf32, #tpu.memory_space<vmem>>, vector<1x16xf32>,
    %swap3A_224 = arith.constant 4 : i32
    %swap3A_225 = arith.index_cast %swap3A_224 : i32 to index
    %swap3A_226 = arith.constant 48 : index
    %swap3A_227 = tpu.vector_load %arg8[%swap3A_225, %swap3A_226] {strides = array<i32>} : memref<16x128xf32, #tpu.memory_space<vmem>>, vector<1x16xf32>,
    %swap3A_228 = vector.shape_cast %swap3A_227 : vector<1x16xf32> to vector<16xf32>
    %swap3A_229 = vector.shape_cast %broadcast_in_dim3A_14 : vector<16xf32> to vector<1x16xf32>
    tpu.vector_store %arg8[%swap3A_225, %swap3A_226], %swap3A_229 {strides = array<i32>} : memref<16x128xf32, #tpu.memory_space<vmem>>, vector<1x16xf32>,
    %swap3A_230 = arith.constant 4 : i32
    %swap3A_231 = arith.index_cast %swap3A_230 : i32 to index
    %swap3A_232 = arith.constant 64 : index
    %swap3A_233 = tpu.vector_load %arg8[%swap3A_231, %swap3A_232] {strides = array<i32>} : memref<16x128xf32, #tpu.memory_space<vmem>>, vector<1x16xf32>,
    %swap3A_234 = vector.shape_cast %swap3A_233 : vector<1x16xf32> to vector<16xf32>
    %swap3A_235 = vector.shape_cast %broadcast_in_dim3A_14 : vector<16xf32> to vector<1x16xf32>
    tpu.vector_store %arg8[%swap3A_231, %swap3A_232], %swap3A_235 {strides = array<i32>} : memref<16x128xf32, #tpu.memory_space<vmem>>, vector<1x16xf32>,
    %swap3A_236 = arith.constant 4 : i32
    %swap3A_237 = arith.index_cast %swap3A_236 : i32 to index
    %swap3A_238 = arith.constant 80 : index
    %swap3A_239 = tpu.vector_load %arg8[%swap3A_237, %swap3A_238] {strides = array<i32>} : memref<16x128xf32, #tpu.memory_space<vmem>>, vector<1x16xf32>,
    %swap3A_240 = vector.shape_cast %swap3A_239 : vector<1x16xf32> to vector<16xf32>
    %swap3A_241 = vector.shape_cast %broadcast_in_dim3A_14 : vector<16xf32> to vector<1x16xf32>
    tpu.vector_store %arg8[%swap3A_237, %swap3A_238], %swap3A_241 {strides = array<i32>} : memref<16x128xf32, #tpu.memory_space<vmem>>, vector<1x16xf32>,
    %swap3A_242 = arith.constant 4 : i32
    %swap3A_243 = arith.index_cast %swap3A_242 : i32 to index
    %swap3A_244 = arith.constant 96 : index
    %swap3A_245 = tpu.vector_load %arg8[%swap3A_243, %swap3A_244] {strides = array<i32>} : memref<16x128xf32, #tpu.memory_space<vmem>>, vector<1x16xf32>,
    %swap3A_246 = vector.shape_cast %swap3A_245 : vector<1x16xf32> to vector<16xf32>
    %swap3A_247 = vector.shape_cast %broadcast_in_dim3A_14 : vector<16xf32> to vector<1x16xf32>
    tpu.vector_store %arg8[%swap3A_243, %swap3A_244], %swap3A_247 {strides = array<i32>} : memref<16x128xf32, #tpu.memory_space<vmem>>, vector<1x16xf32>,
    %swap3A_248 = arith.constant 4 : i32
    %swap3A_249 = arith.index_cast %swap3A_248 : i32 to index
    %swap3A_250 = arith.constant 112 : index
    %swap3A_251 = tpu.vector_load %arg8[%swap3A_249, %swap3A_250] {strides = array<i32>} : memref<16x128xf32, #tpu.memory_space<vmem>>, vector<1x16xf32>,
    %swap3A_252 = vector.shape_cast %swap3A_251 : vector<1x16xf32> to vector<16xf32>
    %swap3A_253 = vector.shape_cast %broadcast_in_dim3A_14 : vector<16xf32> to vector<1x16xf32>
    tpu.vector_store %arg8[%swap3A_249, %swap3A_250], %swap3A_253 {strides = array<i32>} : memref<16x128xf32, #tpu.memory_space<vmem>>, vector<1x16xf32>,
    %swap3A_254 = arith.constant 5 : i32
    %swap3A_255 = arith.index_cast %swap3A_254 : i32 to index
    %swap3A_256 = arith.constant 0 : index
    %swap3A_257 = tpu.vector_load %arg8[%swap3A_255, %swap3A_256] {strides = array<i32>} : memref<16x128xf32, #tpu.memory_space<vmem>>, vector<1x16xf32>,
    %swap3A_258 = vector.shape_cast %swap3A_257 : vector<1x16xf32> to vector<16xf32>
    %swap3A_259 = vector.shape_cast %broadcast_in_dim3A_14 : vector<16xf32> to vector<1x16xf32>
    tpu.vector_store %arg8[%swap3A_255, %swap3A_256], %swap3A_259 {strides = array<i32>} : memref<16x128xf32, #tpu.memory_space<vmem>>, vector<1x16xf32>,
    %swap3A_260 = arith.constant 5 : i32
    %swap3A_261 = arith.index_cast %swap3A_260 : i32 to index
    %swap3A_262 = arith.constant 16 : index
    %swap3A_263 = tpu.vector_load %arg8[%swap3A_261, %swap3A_262] {strides = array<i32>} : memref<16x128xf32, #tpu.memory_space<vmem>>, vector<1x16xf32>,
    %swap3A_264 = vector.shape_cast %swap3A_263 : vector<1x16xf32> to vector<16xf32>
    %swap3A_265 = vector.shape_cast %broadcast_in_dim3A_14 : vector<16xf32> to vector<1x16xf32>
    tpu.vector_store %arg8[%swap3A_261, %swap3A_262], %swap3A_265 {strides = array<i32>} : memref<16x128xf32, #tpu.memory_space<vmem>>, vector<1x16xf32>,
    %swap3A_266 = arith.constant 5 : i32
    %swap3A_267 = arith.index_cast %swap3A_266 : i32 to index
    %swap3A_268 = arith.constant 32 : index
    %swap3A_269 = tpu.vector_load %arg8[%swap3A_267, %swap3A_268] {strides = array<i32>} : memref<16x128xf32, #tpu.memory_space<vmem>>, vector<1x16xf32>,
    %swap3A_270 = vector.shape_cast %swap3A_269 : vector<1x16xf32> to vector<16xf32>
    %swap3A_271 = vector.shape_cast %broadcast_in_dim3A_14 : vector<16xf32> to vector<1x16xf32>
    tpu.vector_store %arg8[%swap3A_267, %swap3A_268], %swap3A_271 {strides = array<i32>} : memref<16x128xf32, #tpu.memory_space<vmem>>, vector<1x16xf32>,
    %swap3A_272 = arith.constant 5 : i32
    %swap3A_273 = arith.index_cast %swap3A_272 : i32 to index
    %swap3A_274 = arith.constant 48 : index
    %swap3A_275 = tpu.vector_load %arg8[%swap3A_273, %swap3A_274] {strides = array<i32>} : memref<16x128xf32, #tpu.memory_space<vmem>>, vector<1x16xf32>,
    %swap3A_276 = vector.shape_cast %swap3A_275 : vector<1x16xf32> to vector<16xf32>
    %swap3A_277 = vector.shape_cast %broadcast_in_dim3A_14 : vector<16xf32> to vector<1x16xf32>
    tpu.vector_store %arg8[%swap3A_273, %swap3A_274], %swap3A_277 {strides = array<i32>} : memref<16x128xf32, #tpu.memory_space<vmem>>, vector<1x16xf32>,
    %swap3A_278 = arith.constant 5 : i32
    %swap3A_279 = arith.index_cast %swap3A_278 : i32 to index
    %swap3A_280 = arith.constant 64 : index
    %swap3A_281 = tpu.vector_load %arg8[%swap3A_279, %swap3A_280] {strides = array<i32>} : memref<16x128xf32, #tpu.memory_space<vmem>>, vector<1x16xf32>,
    %swap3A_282 = vector.shape_cast %swap3A_281 : vector<1x16xf32> to vector<16xf32>
    %swap3A_283 = vector.shape_cast %broadcast_in_dim3A_14 : vector<16xf32> to vector<1x16xf32>
    tpu.vector_store %arg8[%swap3A_279, %swap3A_280], %swap3A_283 {strides = array<i32>} : memref<16x128xf32, #tpu.memory_space<vmem>>, vector<1x16xf32>,
    %swap3A_284 = arith.constant 5 : i32
    %swap3A_285 = arith.index_cast %swap3A_284 : i32 to index
    %swap3A_286 = arith.constant 80 : index
    %swap3A_287 = tpu.vector_load %arg8[%swap3A_285, %swap3A_286] {strides = array<i32>} : memref<16x128xf32, #tpu.memory_space<vmem>>, vector<1x16xf32>,
    %swap3A_288 = vector.shape_cast %swap3A_287 : vector<1x16xf32> to vector<16xf32>
    %swap3A_289 = vector.shape_cast %broadcast_in_dim3A_14 : vector<16xf32> to vector<1x16xf32>
    tpu.vector_store %arg8[%swap3A_285, %swap3A_286], %swap3A_289 {strides = array<i32>} : memref<16x128xf32, #tpu.memory_space<vmem>>, vector<1x16xf32>,
    %swap3A_290 = arith.constant 5 : i32
    %swap3A_291 = arith.index_cast %swap3A_290 : i32 to index
    %swap3A_292 = arith.constant 96 : index
    %swap3A_293 = tpu.vector_load %arg8[%swap3A_291, %swap3A_292] {strides = array<i32>} : memref<16x128xf32, #tpu.memory_space<vmem>>, vector<1x16xf32>,
    %swap3A_294 = vector.shape_cast %swap3A_293 : vector<1x16xf32> to vector<16xf32>
    %swap3A_295 = vector.shape_cast %broadcast_in_dim3A_14 : vector<16xf32> to vector<1x16xf32>
    tpu.vector_store %arg8[%swap3A_291, %swap3A_292], %swap3A_295 {strides = array<i32>} : memref<16x128xf32, #tpu.memory_space<vmem>>, vector<1x16xf32>,
    %swap3A_296 = arith.constant 5 : i32
    %swap3A_297 = arith.index_cast %swap3A_296 : i32 to index
    %swap3A_298 = arith.constant 112 : index
    %swap3A_299 = tpu.vector_load %arg8[%swap3A_297, %swap3A_298] {strides = array<i32>} : memref<16x128xf32, #tpu.memory_space<vmem>>, vector<1x16xf32>,
    %swap3A_300 = vector.shape_cast %swap3A_299 : vector<1x16xf32> to vector<16xf32>
    %swap3A_301 = vector.shape_cast %broadcast_in_dim3A_14 : vector<16xf32> to vector<1x16xf32>
    tpu.vector_store %arg8[%swap3A_297, %swap3A_298], %swap3A_301 {strides = array<i32>} : memref<16x128xf32, #tpu.memory_space<vmem>>, vector<1x16xf32>,
    %swap3A_302 = arith.constant 6 : i32
    %swap3A_303 = arith.index_cast %swap3A_302 : i32 to index
    %swap3A_304 = arith.constant 0 : index
    %swap3A_305 = tpu.vector_load %arg8[%swap3A_303, %swap3A_304] {strides = array<i32>} : memref<16x128xf32, #tpu.memory_space<vmem>>, vector<1x16xf32>,
    %swap3A_306 = vector.shape_cast %swap3A_305 : vector<1x16xf32> to vector<16xf32>
    %swap3A_307 = vector.shape_cast %broadcast_in_dim3A_14 : vector<16xf32> to vector<1x16xf32>
    tpu.vector_store %arg8[%swap3A_303, %swap3A_304], %swap3A_307 {strides = array<i32>} : memref<16x128xf32, #tpu.memory_space<vmem>>, vector<1x16xf32>,
    %swap3A_308 = arith.constant 6 : i32
    %swap3A_309 = arith.index_cast %swap3A_308 : i32 to index
    %swap3A_310 = arith.constant 16 : index
    %swap3A_311 = tpu.vector_load %arg8[%swap3A_309, %swap3A_310] {strides = array<i32>} : memref<16x128xf32, #tpu.memory_space<vmem>>, vector<1x16xf32>,
    %swap3A_312 = vector.shape_cast %swap3A_311 : vector<1x16xf32> to vector<16xf32>
    %swap3A_313 = vector.shape_cast %broadcast_in_dim3A_14 : vector<16xf32> to vector<1x16xf32>
    tpu.vector_store %arg8[%swap3A_309, %swap3A_310], %swap3A_313 {strides = array<i32>} : memref<16x128xf32, #tpu.memory_space<vmem>>, vector<1x16xf32>,
    %swap3A_314 = arith.constant 6 : i32
    %swap3A_315 = arith.index_cast %swap3A_314 : i32 to index
    %swap3A_316 = arith.constant 32 : index
    %swap3A_317 = tpu.vector_load %arg8[%swap3A_315, %swap3A_316] {strides = array<i32>} : memref<16x128xf32, #tpu.memory_space<vmem>>, vector<1x16xf32>,
    %swap3A_318 = vector.shape_cast %swap3A_317 : vector<1x16xf32> to vector<16xf32>
    %swap3A_319 = vector.shape_cast %broadcast_in_dim3A_14 : vector<16xf32> to vector<1x16xf32>
    tpu.vector_store %arg8[%swap3A_315, %swap3A_316], %swap3A_319 {strides = array<i32>} : memref<16x128xf32, #tpu.memory_space<vmem>>, vector<1x16xf32>,
    %swap3A_320 = arith.constant 6 : i32
    %swap3A_321 = arith.index_cast %swap3A_320 : i32 to index
    %swap3A_322 = arith.constant 48 : index
    %swap3A_323 = tpu.vector_load %arg8[%swap3A_321, %swap3A_322] {strides = array<i32>} : memref<16x128xf32, #tpu.memory_space<vmem>>, vector<1x16xf32>,
    %swap3A_324 = vector.shape_cast %swap3A_323 : vector<1x16xf32> to vector<16xf32>
    %swap3A_325 = vector.shape_cast %broadcast_in_dim3A_14 : vector<16xf32> to vector<1x16xf32>
    tpu.vector_store %arg8[%swap3A_321, %swap3A_322], %swap3A_325 {strides = array<i32>} : memref<16x128xf32, #tpu.memory_space<vmem>>, vector<1x16xf32>,
    %swap3A_326 = arith.constant 6 : i32
    %swap3A_327 = arith.index_cast %swap3A_326 : i32 to index
    %swap3A_328 = arith.constant 64 : index
    %swap3A_329 = tpu.vector_load %arg8[%swap3A_327, %swap3A_328] {strides = array<i32>} : memref<16x128xf32, #tpu.memory_space<vmem>>, vector<1x16xf32>,
    %swap3A_330 = vector.shape_cast %swap3A_329 : vector<1x16xf32> to vector<16xf32>
    %swap3A_331 = vector.shape_cast %broadcast_in_dim3A_14 : vector<16xf32> to vector<1x16xf32>
    tpu.vector_store %arg8[%swap3A_327, %swap3A_328], %swap3A_331 {strides = array<i32>} : memref<16x128xf32, #tpu.memory_space<vmem>>, vector<1x16xf32>,
    %swap3A_332 = arith.constant 6 : i32
    %swap3A_333 = arith.index_cast %swap3A_332 : i32 to index
    %swap3A_334 = arith.constant 80 : index
    %swap3A_335 = tpu.vector_load %arg8[%swap3A_333, %swap3A_334] {strides = array<i32>} : memref<16x128xf32, #tpu.memory_space<vmem>>, vector<1x16xf32>,
    %swap3A_336 = vector.shape_cast %swap3A_335 : vector<1x16xf32> to vector<16xf32>
    %swap3A_337 = vector.shape_cast %broadcast_in_dim3A_14 : vector<16xf32> to vector<1x16xf32>
    tpu.vector_store %arg8[%swap3A_333, %swap3A_334], %swap3A_337 {strides = array<i32>} : memref<16x128xf32, #tpu.memory_space<vmem>>, vector<1x16xf32>,
    %swap3A_338 = arith.constant 6 : i32
    %swap3A_339 = arith.index_cast %swap3A_338 : i32 to index
    %swap3A_340 = arith.constant 96 : index
    %swap3A_341 = tpu.vector_load %arg8[%swap3A_339, %swap3A_340] {strides = array<i32>} : memref<16x128xf32, #tpu.memory_space<vmem>>, vector<1x16xf32>,
    %swap3A_342 = vector.shape_cast %swap3A_341 : vector<1x16xf32> to vector<16xf32>
    %swap3A_343 = vector.shape_cast %broadcast_in_dim3A_14 : vector<16xf32> to vector<1x16xf32>
    tpu.vector_store %arg8[%swap3A_339, %swap3A_340], %swap3A_343 {strides = array<i32>} : memref<16x128xf32, #tpu.memory_space<vmem>>, vector<1x16xf32>,
    %swap3A_344 = arith.constant 6 : i32
    %swap3A_345 = arith.index_cast %swap3A_344 : i32 to index
    %swap3A_346 = arith.constant 112 : index
    %swap3A_347 = tpu.vector_load %arg8[%swap3A_345, %swap3A_346] {strides = array<i32>} : memref<16x128xf32, #tpu.memory_space<vmem>>, vector<1x16xf32>,
    %swap3A_348 = vector.shape_cast %swap3A_347 : vector<1x16xf32> to vector<16xf32>
    %swap3A_349 = vector.shape_cast %broadcast_in_dim3A_14 : vector<16xf32> to vector<1x16xf32>
    tpu.vector_store %arg8[%swap3A_345, %swap3A_346], %swap3A_349 {strides = array<i32>} : memref<16x128xf32, #tpu.memory_space<vmem>>, vector<1x16xf32>,
    %swap3A_350 = arith.constant 7 : i32
    %swap3A_351 = arith.index_cast %swap3A_350 : i32 to index
    %swap3A_352 = arith.constant 0 : index
    %swap3A_353 = tpu.vector_load %arg8[%swap3A_351, %swap3A_352] {strides = array<i32>} : memref<16x128xf32, #tpu.memory_space<vmem>>, vector<1x16xf32>,
    %swap3A_354 = vector.shape_cast %swap3A_353 : vector<1x16xf32> to vector<16xf32>
    %swap3A_355 = vector.shape_cast %broadcast_in_dim3A_14 : vector<16xf32> to vector<1x16xf32>
    tpu.vector_store %arg8[%swap3A_351, %swap3A_352], %swap3A_355 {strides = array<i32>} : memref<16x128xf32, #tpu.memory_space<vmem>>, vector<1x16xf32>,
    %swap3A_356 = arith.constant 7 : i32
    %swap3A_357 = arith.index_cast %swap3A_356 : i32 to index
    %swap3A_358 = arith.constant 16 : index
    %swap3A_359 = tpu.vector_load %arg8[%swap3A_357, %swap3A_358] {strides = array<i32>} : memref<16x128xf32, #tpu.memory_space<vmem>>, vector<1x16xf32>,
    %swap3A_360 = vector.shape_cast %swap3A_359 : vector<1x16xf32> to vector<16xf32>
    %swap3A_361 = vector.shape_cast %broadcast_in_dim3A_14 : vector<16xf32> to vector<1x16xf32>
    tpu.vector_store %arg8[%swap3A_357, %swap3A_358], %swap3A_361 {strides = array<i32>} : memref<16x128xf32, #tpu.memory_space<vmem>>, vector<1x16xf32>,
    %swap3A_362 = arith.constant 7 : i32
    %swap3A_363 = arith.index_cast %swap3A_362 : i32 to index
    %swap3A_364 = arith.constant 32 : index
    %swap3A_365 = tpu.vector_load %arg8[%swap3A_363, %swap3A_364] {strides = array<i32>} : memref<16x128xf32, #tpu.memory_space<vmem>>, vector<1x16xf32>,
    %swap3A_366 = vector.shape_cast %swap3A_365 : vector<1x16xf32> to vector<16xf32>
    %swap3A_367 = vector.shape_cast %broadcast_in_dim3A_14 : vector<16xf32> to vector<1x16xf32>
    tpu.vector_store %arg8[%swap3A_363, %swap3A_364], %swap3A_367 {strides = array<i32>} : memref<16x128xf32, #tpu.memory_space<vmem>>, vector<1x16xf32>,
    %swap3A_368 = arith.constant 7 : i32
    %swap3A_369 = arith.index_cast %swap3A_368 : i32 to index
    %swap3A_370 = arith.constant 48 : index
    %swap3A_371 = tpu.vector_load %arg8[%swap3A_369, %swap3A_370] {strides = array<i32>} : memref<16x128xf32, #tpu.memory_space<vmem>>, vector<1x16xf32>,
    %swap3A_372 = vector.shape_cast %swap3A_371 : vector<1x16xf32> to vector<16xf32>
    %swap3A_373 = vector.shape_cast %broadcast_in_dim3A_14 : vector<16xf32> to vector<1x16xf32>
    tpu.vector_store %arg8[%swap3A_369, %swap3A_370], %swap3A_373 {strides = array<i32>} : memref<16x128xf32, #tpu.memory_space<vmem>>, vector<1x16xf32>,
    %swap3A_374 = arith.constant 7 : i32
    %swap3A_375 = arith.index_cast %swap3A_374 : i32 to index
    %swap3A_376 = arith.constant 64 : index
    %swap3A_377 = tpu.vector_load %arg8[%swap3A_375, %swap3A_376] {strides = array<i32>} : memref<16x128xf32, #tpu.memory_space<vmem>>, vector<1x16xf32>,
    %swap3A_378 = vector.shape_cast %swap3A_377 : vector<1x16xf32> to vector<16xf32>
    %swap3A_379 = vector.shape_cast %broadcast_in_dim3A_14 : vector<16xf32> to vector<1x16xf32>
    tpu.vector_store %arg8[%swap3A_375, %swap3A_376], %swap3A_379 {strides = array<i32>} : memref<16x128xf32, #tpu.memory_space<vmem>>, vector<1x16xf32>,
    %swap3A_380 = arith.constant 7 : i32
    %swap3A_381 = arith.index_cast %swap3A_380 : i32 to index
    %swap3A_382 = arith.constant 80 : index
    %swap3A_383 = tpu.vector_load %arg8[%swap3A_381, %swap3A_382] {strides = array<i32>} : memref<16x128xf32, #tpu.memory_space<vmem>>, vector<1x16xf32>,
    %swap3A_384 = vector.shape_cast %swap3A_383 : vector<1x16xf32> to vector<16xf32>
    %swap3A_385 = vector.shape_cast %broadcast_in_dim3A_14 : vector<16xf32> to vector<1x16xf32>
    tpu.vector_store %arg8[%swap3A_381, %swap3A_382], %swap3A_385 {strides = array<i32>} : memref<16x128xf32, #tpu.memory_space<vmem>>, vector<1x16xf32>,
    %swap3A_386 = arith.constant 7 : i32
    %swap3A_387 = arith.index_cast %swap3A_386 : i32 to index
    %swap3A_388 = arith.constant 96 : index
    %swap3A_389 = tpu.vector_load %arg8[%swap3A_387, %swap3A_388] {strides = array<i32>} : memref<16x128xf32, #tpu.memory_space<vmem>>, vector<1x16xf32>,
    %swap3A_390 = vector.shape_cast %swap3A_389 : vector<1x16xf32> to vector<16xf32>
    %swap3A_391 = vector.shape_cast %broadcast_in_dim3A_14 : vector<16xf32> to vector<1x16xf32>
    tpu.vector_store %arg8[%swap3A_387, %swap3A_388], %swap3A_391 {strides = array<i32>} : memref<16x128xf32, #tpu.memory_space<vmem>>, vector<1x16xf32>,
    %swap3A_392 = arith.constant 7 : i32
    %swap3A_393 = arith.index_cast %swap3A_392 : i32 to index
    %swap3A_394 = arith.constant 112 : index
    %swap3A_395 = tpu.vector_load %arg8[%swap3A_393, %swap3A_394] {strides = array<i32>} : memref<16x128xf32, #tpu.memory_space<vmem>>, vector<1x16xf32>,
    %swap3A_396 = vector.shape_cast %swap3A_395 : vector<1x16xf32> to vector<16xf32>
    %swap3A_397 = vector.shape_cast %broadcast_in_dim3A_14 : vector<16xf32> to vector<1x16xf32>
    tpu.vector_store %arg8[%swap3A_393, %swap3A_394], %swap3A_397 {strides = array<i32>} : memref<16x128xf32, #tpu.memory_space<vmem>>, vector<1x16xf32>,
    %swap3A_398 = arith.constant 8 : i32
    %swap3A_399 = arith.index_cast %swap3A_398 : i32 to index
    %swap3A_400 = arith.constant 0 : index
    %swap3A_401 = tpu.vector_load %arg8[%swap3A_399, %swap3A_400] {strides = array<i32>} : memref<16x128xf32, #tpu.memory_space<vmem>>, vector<1x16xf32>,
    %swap3A_402 = vector.shape_cast %swap3A_401 : vector<1x16xf32> to vector<16xf32>
    %swap3A_403 = vector.shape_cast %broadcast_in_dim3A_14 : vector<16xf32> to vector<1x16xf32>
    tpu.vector_store %arg8[%swap3A_399, %swap3A_400], %swap3A_403 {strides = array<i32>} : memref<16x128xf32, #tpu.memory_space<vmem>>, vector<1x16xf32>,
    %swap3A_404 = arith.constant 8 : i32
    %swap3A_405 = arith.index_cast %swap3A_404 : i32 to index
    %swap3A_406 = arith.constant 16 : index
    %swap3A_407 = tpu.vector_load %arg8[%swap3A_405, %swap3A_406] {strides = array<i32>} : memref<16x128xf32, #tpu.memory_space<vmem>>, vector<1x16xf32>,
    %swap3A_408 = vector.shape_cast %swap3A_407 : vector<1x16xf32> to vector<16xf32>
    %swap3A_409 = vector.shape_cast %broadcast_in_dim3A_14 : vector<16xf32> to vector<1x16xf32>
    tpu.vector_store %arg8[%swap3A_405, %swap3A_406], %swap3A_409 {strides = array<i32>} : memref<16x128xf32, #tpu.memory_space<vmem>>, vector<1x16xf32>,
    %swap3A_410 = arith.constant 8 : i32
    %swap3A_411 = arith.index_cast %swap3A_410 : i32 to index
    %swap3A_412 = arith.constant 32 : index
    %swap3A_413 = tpu.vector_load %arg8[%swap3A_411, %swap3A_412] {strides = array<i32>} : memref<16x128xf32, #tpu.memory_space<vmem>>, vector<1x16xf32>,
    %swap3A_414 = vector.shape_cast %swap3A_413 : vector<1x16xf32> to vector<16xf32>
    %swap3A_415 = vector.shape_cast %broadcast_in_dim3A_14 : vector<16xf32> to vector<1x16xf32>
    tpu.vector_store %arg8[%swap3A_411, %swap3A_412], %swap3A_415 {strides = array<i32>} : memref<16x128xf32, #tpu.memory_space<vmem>>, vector<1x16xf32>,
    %swap3A_416 = arith.constant 8 : i32
    %swap3A_417 = arith.index_cast %swap3A_416 : i32 to index
    %swap3A_418 = arith.constant 48 : index
    %swap3A_419 = tpu.vector_load %arg8[%swap3A_417, %swap3A_418] {strides = array<i32>} : memref<16x128xf32, #tpu.memory_space<vmem>>, vector<1x16xf32>,
    %swap3A_420 = vector.shape_cast %swap3A_419 : vector<1x16xf32> to vector<16xf32>
    %swap3A_421 = vector.shape_cast %broadcast_in_dim3A_14 : vector<16xf32> to vector<1x16xf32>
    tpu.vector_store %arg8[%swap3A_417, %swap3A_418], %swap3A_421 {strides = array<i32>} : memref<16x128xf32, #tpu.memory_space<vmem>>, vector<1x16xf32>,
    %swap3A_422 = arith.constant 8 : i32
    %swap3A_423 = arith.index_cast %swap3A_422 : i32 to index
    %swap3A_424 = arith.constant 64 : index
    %swap3A_425 = tpu.vector_load %arg8[%swap3A_423, %swap3A_424] {strides = array<i32>} : memref<16x128xf32, #tpu.memory_space<vmem>>, vector<1x16xf32>,
    %swap3A_426 = vector.shape_cast %swap3A_425 : vector<1x16xf32> to vector<16xf32>
    %swap3A_427 = vector.shape_cast %broadcast_in_dim3A_14 : vector<16xf32> to vector<1x16xf32>
    tpu.vector_store %arg8[%swap3A_423, %swap3A_424], %swap3A_427 {strides = array<i32>} : memref<16x128xf32, #tpu.memory_space<vmem>>, vector<1x16xf32>,
    %swap3A_428 = arith.constant 8 : i32
    %swap3A_429 = arith.index_cast %swap3A_428 : i32 to index
    %swap3A_430 = arith.constant 80 : index
    %swap3A_431 = tpu.vector_load %arg8[%swap3A_429, %swap3A_430] {strides = array<i32>} : memref<16x128xf32, #tpu.memory_space<vmem>>, vector<1x16xf32>,
    %swap3A_432 = vector.shape_cast %swap3A_431 : vector<1x16xf32> to vector<16xf32>
    %swap3A_433 = vector.shape_cast %broadcast_in_dim3A_14 : vector<16xf32> to vector<1x16xf32>
    tpu.vector_store %arg8[%swap3A_429, %swap3A_430], %swap3A_433 {strides = array<i32>} : memref<16x128xf32, #tpu.memory_space<vmem>>, vector<1x16xf32>,
    %swap3A_434 = arith.constant 8 : i32
    %swap3A_435 = arith.index_cast %swap3A_434 : i32 to index
    %swap3A_436 = arith.constant 96 : index
    %swap3A_437 = tpu.vector_load %arg8[%swap3A_435, %swap3A_436] {strides = array<i32>} : memref<16x128xf32, #tpu.memory_space<vmem>>, vector<1x16xf32>,
    %swap3A_438 = vector.shape_cast %swap3A_437 : vector<1x16xf32> to vector<16xf32>
    %swap3A_439 = vector.shape_cast %broadcast_in_dim3A_14 : vector<16xf32> to vector<1x16xf32>
    tpu.vector_store %arg8[%swap3A_435, %swap3A_436], %swap3A_439 {strides = array<i32>} : memref<16x128xf32, #tpu.memory_space<vmem>>, vector<1x16xf32>,
    %swap3A_440 = arith.constant 8 : i32
    %swap3A_441 = arith.index_cast %swap3A_440 : i32 to index
    %swap3A_442 = arith.constant 112 : index
    %swap3A_443 = tpu.vector_load %arg8[%swap3A_441, %swap3A_442] {strides = array<i32>} : memref<16x128xf32, #tpu.memory_space<vmem>>, vector<1x16xf32>,
    %swap3A_444 = vector.shape_cast %swap3A_443 : vector<1x16xf32> to vector<16xf32>
    %swap3A_445 = vector.shape_cast %broadcast_in_dim3A_14 : vector<16xf32> to vector<1x16xf32>
    tpu.vector_store %arg8[%swap3A_441, %swap3A_442], %swap3A_445 {strides = array<i32>} : memref<16x128xf32, #tpu.memory_space<vmem>>, vector<1x16xf32>,
    %swap3A_446 = arith.constant 9 : i32
    %swap3A_447 = arith.index_cast %swap3A_446 : i32 to index
    %swap3A_448 = arith.constant 0 : index
    %swap3A_449 = tpu.vector_load %arg8[%swap3A_447, %swap3A_448] {strides = array<i32>} : memref<16x128xf32, #tpu.memory_space<vmem>>, vector<1x16xf32>,
    %swap3A_450 = vector.shape_cast %swap3A_449 : vector<1x16xf32> to vector<16xf32>
    %swap3A_451 = vector.shape_cast %broadcast_in_dim3A_14 : vector<16xf32> to vector<1x16xf32>
    tpu.vector_store %arg8[%swap3A_447, %swap3A_448], %swap3A_451 {strides = array<i32>} : memref<16x128xf32, #tpu.memory_space<vmem>>, vector<1x16xf32>,
    %swap3A_452 = arith.constant 9 : i32
    %swap3A_453 = arith.index_cast %swap3A_452 : i32 to index
    %swap3A_454 = arith.constant 16 : index
    %swap3A_455 = tpu.vector_load %arg8[%swap3A_453, %swap3A_454] {strides = array<i32>} : memref<16x128xf32, #tpu.memory_space<vmem>>, vector<1x16xf32>,
    %swap3A_456 = vector.shape_cast %swap3A_455 : vector<1x16xf32> to vector<16xf32>
    %swap3A_457 = vector.shape_cast %broadcast_in_dim3A_14 : vector<16xf32> to vector<1x16xf32>
    tpu.vector_store %arg8[%swap3A_453, %swap3A_454], %swap3A_457 {strides = array<i32>} : memref<16x128xf32, #tpu.memory_space<vmem>>, vector<1x16xf32>,
    %swap3A_458 = arith.constant 9 : i32
    %swap3A_459 = arith.index_cast %swap3A_458 : i32 to index
    %swap3A_460 = arith.constant 32 : index
    %swap3A_461 = tpu.vector_load %arg8[%swap3A_459, %swap3A_460] {strides = array<i32>} : memref<16x128xf32, #tpu.memory_space<vmem>>, vector<1x16xf32>,
    %swap3A_462 = vector.shape_cast %swap3A_461 : vector<1x16xf32> to vector<16xf32>
    %swap3A_463 = vector.shape_cast %broadcast_in_dim3A_14 : vector<16xf32> to vector<1x16xf32>
    tpu.vector_store %arg8[%swap3A_459, %swap3A_460], %swap3A_463 {strides = array<i32>} : memref<16x128xf32, #tpu.memory_space<vmem>>, vector<1x16xf32>,
    %swap3A_464 = arith.constant 9 : i32
    %swap3A_465 = arith.index_cast %swap3A_464 : i32 to index
    %swap3A_466 = arith.constant 48 : index
    %swap3A_467 = tpu.vector_load %arg8[%swap3A_465, %swap3A_466] {strides = array<i32>} : memref<16x128xf32, #tpu.memory_space<vmem>>, vector<1x16xf32>,
    %swap3A_468 = vector.shape_cast %swap3A_467 : vector<1x16xf32> to vector<16xf32>
    %swap3A_469 = vector.shape_cast %broadcast_in_dim3A_14 : vector<16xf32> to vector<1x16xf32>
    tpu.vector_store %arg8[%swap3A_465, %swap3A_466], %swap3A_469 {strides = array<i32>} : memref<16x128xf32, #tpu.memory_space<vmem>>, vector<1x16xf32>,
    %swap3A_470 = arith.constant 9 : i32
    %swap3A_471 = arith.index_cast %swap3A_470 : i32 to index
    %swap3A_472 = arith.constant 64 : index
    %swap3A_473 = tpu.vector_load %arg8[%swap3A_471, %swap3A_472] {strides = array<i32>} : memref<16x128xf32, #tpu.memory_space<vmem>>, vector<1x16xf32>,
    %swap3A_474 = vector.shape_cast %swap3A_473 : vector<1x16xf32> to vector<16xf32>
    %swap3A_475 = vector.shape_cast %broadcast_in_dim3A_14 : vector<16xf32> to vector<1x16xf32>
    tpu.vector_store %arg8[%swap3A_471, %swap3A_472], %swap3A_475 {strides = array<i32>} : memref<16x128xf32, #tpu.memory_space<vmem>>, vector<1x16xf32>,
    %swap3A_476 = arith.constant 9 : i32
    %swap3A_477 = arith.index_cast %swap3A_476 : i32 to index
    %swap3A_478 = arith.constant 80 : index
    %swap3A_479 = tpu.vector_load %arg8[%swap3A_477, %swap3A_478] {strides = array<i32>} : memref<16x128xf32, #tpu.memory_space<vmem>>, vector<1x16xf32>,
    %swap3A_480 = vector.shape_cast %swap3A_479 : vector<1x16xf32> to vector<16xf32>
    %swap3A_481 = vector.shape_cast %broadcast_in_dim3A_14 : vector<16xf32> to vector<1x16xf32>
    tpu.vector_store %arg8[%swap3A_477, %swap3A_478], %swap3A_481 {strides = array<i32>} : memref<16x128xf32, #tpu.memory_space<vmem>>, vector<1x16xf32>,
    %swap3A_482 = arith.constant 9 : i32
    %swap3A_483 = arith.index_cast %swap3A_482 : i32 to index
    %swap3A_484 = arith.constant 96 : index
    %swap3A_485 = tpu.vector_load %arg8[%swap3A_483, %swap3A_484] {strides = array<i32>} : memref<16x128xf32, #tpu.memory_space<vmem>>, vector<1x16xf32>,
    %swap3A_486 = vector.shape_cast %swap3A_485 : vector<1x16xf32> to vector<16xf32>
    %swap3A_487 = vector.shape_cast %broadcast_in_dim3A_14 : vector<16xf32> to vector<1x16xf32>
    tpu.vector_store %arg8[%swap3A_483, %swap3A_484], %swap3A_487 {strides = array<i32>} : memref<16x128xf32, #tpu.memory_space<vmem>>, vector<1x16xf32>,
    %swap3A_488 = arith.constant 9 : i32
    %swap3A_489 = arith.index_cast %swap3A_488 : i32 to index
    %swap3A_490 = arith.constant 112 : index
    %swap3A_491 = tpu.vector_load %arg8[%swap3A_489, %swap3A_490] {strides = array<i32>} : memref<16x128xf32, #tpu.memory_space<vmem>>, vector<1x16xf32>,
    %swap3A_492 = vector.shape_cast %swap3A_491 : vector<1x16xf32> to vector<16xf32>
    %swap3A_493 = vector.shape_cast %broadcast_in_dim3A_14 : vector<16xf32> to vector<1x16xf32>
    tpu.vector_store %arg8[%swap3A_489, %swap3A_490], %swap3A_493 {strides = array<i32>} : memref<16x128xf32, #tpu.memory_space<vmem>>, vector<1x16xf32>,
    %swap3A_494 = arith.constant 10 : i32
    %swap3A_495 = arith.index_cast %swap3A_494 : i32 to index
    %swap3A_496 = arith.constant 0 : index
    %swap3A_497 = tpu.vector_load %arg8[%swap3A_495, %swap3A_496] {strides = array<i32>} : memref<16x128xf32, #tpu.memory_space<vmem>>, vector<1x16xf32>,
    %swap3A_498 = vector.shape_cast %swap3A_497 : vector<1x16xf32> to vector<16xf32>
    %swap3A_499 = vector.shape_cast %broadcast_in_dim3A_14 : vector<16xf32> to vector<1x16xf32>
    tpu.vector_store %arg8[%swap3A_495, %swap3A_496], %swap3A_499 {strides = array<i32>} : memref<16x128xf32, #tpu.memory_space<vmem>>, vector<1x16xf32>,
    %swap3A_500 = arith.constant 10 : i32
    %swap3A_501 = arith.index_cast %swap3A_500 : i32 to index
    %swap3A_502 = arith.constant 16 : index
    %swap3A_503 = tpu.vector_load %arg8[%swap3A_501, %swap3A_502] {strides = array<i32>} : memref<16x128xf32, #tpu.memory_space<vmem>>, vector<1x16xf32>,
    %swap3A_504 = vector.shape_cast %swap3A_503 : vector<1x16xf32> to vector<16xf32>
    %swap3A_505 = vector.shape_cast %broadcast_in_dim3A_14 : vector<16xf32> to vector<1x16xf32>
    tpu.vector_store %arg8[%swap3A_501, %swap3A_502], %swap3A_505 {strides = array<i32>} : memref<16x128xf32, #tpu.memory_space<vmem>>, vector<1x16xf32>,
    %swap3A_506 = arith.constant 10 : i32
    %swap3A_507 = arith.index_cast %swap3A_506 : i32 to index
    %swap3A_508 = arith.constant 32 : index
    %swap3A_509 = tpu.vector_load %arg8[%swap3A_507, %swap3A_508] {strides = array<i32>} : memref<16x128xf32, #tpu.memory_space<vmem>>, vector<1x16xf32>,
    %swap3A_510 = vector.shape_cast %swap3A_509 : vector<1x16xf32> to vector<16xf32>
    %swap3A_511 = vector.shape_cast %broadcast_in_dim3A_14 : vector<16xf32> to vector<1x16xf32>
    tpu.vector_store %arg8[%swap3A_507, %swap3A_508], %swap3A_511 {strides = array<i32>} : memref<16x128xf32, #tpu.memory_space<vmem>>, vector<1x16xf32>,
    %swap3A_512 = arith.constant 10 : i32
    %swap3A_513 = arith.index_cast %swap3A_512 : i32 to index
    %swap3A_514 = arith.constant 48 : index
    %swap3A_515 = tpu.vector_load %arg8[%swap3A_513, %swap3A_514] {strides = array<i32>} : memref<16x128xf32, #tpu.memory_space<vmem>>, vector<1x16xf32>,
    %swap3A_516 = vector.shape_cast %swap3A_515 : vector<1x16xf32> to vector<16xf32>
    %swap3A_517 = vector.shape_cast %broadcast_in_dim3A_14 : vector<16xf32> to vector<1x16xf32>
    tpu.vector_store %arg8[%swap3A_513, %swap3A_514], %swap3A_517 {strides = array<i32>} : memref<16x128xf32, #tpu.memory_space<vmem>>, vector<1x16xf32>,
    %swap3A_518 = arith.constant 10 : i32
    %swap3A_519 = arith.index_cast %swap3A_518 : i32 to index
    %swap3A_520 = arith.constant 64 : index
    %swap3A_521 = tpu.vector_load %arg8[%swap3A_519, %swap3A_520] {strides = array<i32>} : memref<16x128xf32, #tpu.memory_space<vmem>>, vector<1x16xf32>,
    %swap3A_522 = vector.shape_cast %swap3A_521 : vector<1x16xf32> to vector<16xf32>
    %swap3A_523 = vector.shape_cast %broadcast_in_dim3A_14 : vector<16xf32> to vector<1x16xf32>
    tpu.vector_store %arg8[%swap3A_519, %swap3A_520], %swap3A_523 {strides = array<i32>} : memref<16x128xf32, #tpu.memory_space<vmem>>, vector<1x16xf32>,
    %swap3A_524 = arith.constant 10 : i32
    %swap3A_525 = arith.index_cast %swap3A_524 : i32 to index
    %swap3A_526 = arith.constant 80 : index
    %swap3A_527 = tpu.vector_load %arg8[%swap3A_525, %swap3A_526] {strides = array<i32>} : memref<16x128xf32, #tpu.memory_space<vmem>>, vector<1x16xf32>,
    %swap3A_528 = vector.shape_cast %swap3A_527 : vector<1x16xf32> to vector<16xf32>
    %swap3A_529 = vector.shape_cast %broadcast_in_dim3A_14 : vector<16xf32> to vector<1x16xf32>
    tpu.vector_store %arg8[%swap3A_525, %swap3A_526], %swap3A_529 {strides = array<i32>} : memref<16x128xf32, #tpu.memory_space<vmem>>, vector<1x16xf32>,
    %swap3A_530 = arith.constant 10 : i32
    %swap3A_531 = arith.index_cast %swap3A_530 : i32 to index
    %swap3A_532 = arith.constant 96 : index
    %swap3A_533 = tpu.vector_load %arg8[%swap3A_531, %swap3A_532] {strides = array<i32>} : memref<16x128xf32, #tpu.memory_space<vmem>>, vector<1x16xf32>,
    %swap3A_534 = vector.shape_cast %swap3A_533 : vector<1x16xf32> to vector<16xf32>
    %swap3A_535 = vector.shape_cast %broadcast_in_dim3A_14 : vector<16xf32> to vector<1x16xf32>
    tpu.vector_store %arg8[%swap3A_531, %swap3A_532], %swap3A_535 {strides = array<i32>} : memref<16x128xf32, #tpu.memory_space<vmem>>, vector<1x16xf32>,
    %swap3A_536 = arith.constant 10 : i32
    %swap3A_537 = arith.index_cast %swap3A_536 : i32 to index
    %swap3A_538 = arith.constant 112 : index
    %swap3A_539 = tpu.vector_load %arg8[%swap3A_537, %swap3A_538] {strides = array<i32>} : memref<16x128xf32, #tpu.memory_space<vmem>>, vector<1x16xf32>,
    %swap3A_540 = vector.shape_cast %swap3A_539 : vector<1x16xf32> to vector<16xf32>
    %swap3A_541 = vector.shape_cast %broadcast_in_dim3A_14 : vector<16xf32> to vector<1x16xf32>
    tpu.vector_store %arg8[%swap3A_537, %swap3A_538], %swap3A_541 {strides = array<i32>} : memref<16x128xf32, #tpu.memory_space<vmem>>, vector<1x16xf32>,
    %swap3A_542 = arith.constant 11 : i32
    %swap3A_543 = arith.index_cast %swap3A_542 : i32 to index
    %swap3A_544 = arith.constant 0 : index
    %swap3A_545 = tpu.vector_load %arg8[%swap3A_543, %swap3A_544] {strides = array<i32>} : memref<16x128xf32, #tpu.memory_space<vmem>>, vector<1x16xf32>,
    %swap3A_546 = vector.shape_cast %swap3A_545 : vector<1x16xf32> to vector<16xf32>
    %swap3A_547 = vector.shape_cast %broadcast_in_dim3A_14 : vector<16xf32> to vector<1x16xf32>
    tpu.vector_store %arg8[%swap3A_543, %swap3A_544], %swap3A_547 {strides = array<i32>} : memref<16x128xf32, #tpu.memory_space<vmem>>, vector<1x16xf32>,
    %swap3A_548 = arith.constant 11 : i32
    %swap3A_549 = arith.index_cast %swap3A_548 : i32 to index
    %swap3A_550 = arith.constant 16 : index
    %swap3A_551 = tpu.vector_load %arg8[%swap3A_549, %swap3A_550] {strides = array<i32>} : memref<16x128xf32, #tpu.memory_space<vmem>>, vector<1x16xf32>,
    %swap3A_552 = vector.shape_cast %swap3A_551 : vector<1x16xf32> to vector<16xf32>
    %swap3A_553 = vector.shape_cast %broadcast_in_dim3A_14 : vector<16xf32> to vector<1x16xf32>
    tpu.vector_store %arg8[%swap3A_549, %swap3A_550], %swap3A_553 {strides = array<i32>} : memref<16x128xf32, #tpu.memory_space<vmem>>, vector<1x16xf32>,
    %swap3A_554 = arith.constant 11 : i32
    %swap3A_555 = arith.index_cast %swap3A_554 : i32 to index
    %swap3A_556 = arith.constant 32 : index
    %swap3A_557 = tpu.vector_load %arg8[%swap3A_555, %swap3A_556] {strides = array<i32>} : memref<16x128xf32, #tpu.memory_space<vmem>>, vector<1x16xf32>,
    %swap3A_558 = vector.shape_cast %swap3A_557 : vector<1x16xf32> to vector<16xf32>
    %swap3A_559 = vector.shape_cast %broadcast_in_dim3A_14 : vector<16xf32> to vector<1x16xf32>
    tpu.vector_store %arg8[%swap3A_555, %swap3A_556], %swap3A_559 {strides = array<i32>} : memref<16x128xf32, #tpu.memory_space<vmem>>, vector<1x16xf32>,
    %swap3A_560 = arith.constant 11 : i32
    %swap3A_561 = arith.index_cast %swap3A_560 : i32 to index
    %swap3A_562 = arith.constant 48 : index
    %swap3A_563 = tpu.vector_load %arg8[%swap3A_561, %swap3A_562] {strides = array<i32>} : memref<16x128xf32, #tpu.memory_space<vmem>>, vector<1x16xf32>,
    %swap3A_564 = vector.shape_cast %swap3A_563 : vector<1x16xf32> to vector<16xf32>
    %swap3A_565 = vector.shape_cast %broadcast_in_dim3A_14 : vector<16xf32> to vector<1x16xf32>
    tpu.vector_store %arg8[%swap3A_561, %swap3A_562], %swap3A_565 {strides = array<i32>} : memref<16x128xf32, #tpu.memory_space<vmem>>, vector<1x16xf32>,
    %swap3A_566 = arith.constant 11 : i32
    %swap3A_567 = arith.index_cast %swap3A_566 : i32 to index
    %swap3A_568 = arith.constant 64 : index
    %swap3A_569 = tpu.vector_load %arg8[%swap3A_567, %swap3A_568] {strides = array<i32>} : memref<16x128xf32, #tpu.memory_space<vmem>>, vector<1x16xf32>,
    %swap3A_570 = vector.shape_cast %swap3A_569 : vector<1x16xf32> to vector<16xf32>
    %swap3A_571 = vector.shape_cast %broadcast_in_dim3A_14 : vector<16xf32> to vector<1x16xf32>
    tpu.vector_store %arg8[%swap3A_567, %swap3A_568], %swap3A_571 {strides = array<i32>} : memref<16x128xf32, #tpu.memory_space<vmem>>, vector<1x16xf32>,
    %swap3A_572 = arith.constant 11 : i32
    %swap3A_573 = arith.index_cast %swap3A_572 : i32 to index
    %swap3A_574 = arith.constant 80 : index
    %swap3A_575 = tpu.vector_load %arg8[%swap3A_573, %swap3A_574] {strides = array<i32>} : memref<16x128xf32, #tpu.memory_space<vmem>>, vector<1x16xf32>,
    %swap3A_576 = vector.shape_cast %swap3A_575 : vector<1x16xf32> to vector<16xf32>
    %swap3A_577 = vector.shape_cast %broadcast_in_dim3A_14 : vector<16xf32> to vector<1x16xf32>
    tpu.vector_store %arg8[%swap3A_573, %swap3A_574], %swap3A_577 {strides = array<i32>} : memref<16x128xf32, #tpu.memory_space<vmem>>, vector<1x16xf32>,
    %swap3A_578 = arith.constant 11 : i32
    %swap3A_579 = arith.index_cast %swap3A_578 : i32 to index
    %swap3A_580 = arith.constant 96 : index
    %swap3A_581 = tpu.vector_load %arg8[%swap3A_579, %swap3A_580] {strides = array<i32>} : memref<16x128xf32, #tpu.memory_space<vmem>>, vector<1x16xf32>,
    %swap3A_582 = vector.shape_cast %swap3A_581 : vector<1x16xf32> to vector<16xf32>
    %swap3A_583 = vector.shape_cast %broadcast_in_dim3A_14 : vector<16xf32> to vector<1x16xf32>
    tpu.vector_store %arg8[%swap3A_579, %swap3A_580], %swap3A_583 {strides = array<i32>} : memref<16x128xf32, #tpu.memory_space<vmem>>, vector<1x16xf32>,
    %swap3A_584 = arith.constant 11 : i32
    %swap3A_585 = arith.index_cast %swap3A_584 : i32 to index
    %swap3A_586 = arith.constant 112 : index
    %swap3A_587 = tpu.vector_load %arg8[%swap3A_585, %swap3A_586] {strides = array<i32>} : memref<16x128xf32, #tpu.memory_space<vmem>>, vector<1x16xf32>,
    %swap3A_588 = vector.shape_cast %swap3A_587 : vector<1x16xf32> to vector<16xf32>
    %swap3A_589 = vector.shape_cast %broadcast_in_dim3A_14 : vector<16xf32> to vector<1x16xf32>
    tpu.vector_store %arg8[%swap3A_585, %swap3A_586], %swap3A_589 {strides = array<i32>} : memref<16x128xf32, #tpu.memory_space<vmem>>, vector<1x16xf32>,
    %swap3A_590 = arith.constant 12 : i32
    %swap3A_591 = arith.index_cast %swap3A_590 : i32 to index
    %swap3A_592 = arith.constant 0 : index
    %swap3A_593 = tpu.vector_load %arg8[%swap3A_591, %swap3A_592] {strides = array<i32>} : memref<16x128xf32, #tpu.memory_space<vmem>>, vector<1x16xf32>,
    %swap3A_594 = vector.shape_cast %swap3A_593 : vector<1x16xf32> to vector<16xf32>
    %swap3A_595 = vector.shape_cast %broadcast_in_dim3A_14 : vector<16xf32> to vector<1x16xf32>
    tpu.vector_store %arg8[%swap3A_591, %swap3A_592], %swap3A_595 {strides = array<i32>} : memref<16x128xf32, #tpu.memory_space<vmem>>, vector<1x16xf32>,
    %swap3A_596 = arith.constant 12 : i32
    %swap3A_597 = arith.index_cast %swap3A_596 : i32 to index
    %swap3A_598 = arith.constant 16 : index
    %swap3A_599 = tpu.vector_load %arg8[%swap3A_597, %swap3A_598] {strides = array<i32>} : memref<16x128xf32, #tpu.memory_space<vmem>>, vector<1x16xf32>,
    %swap3A_600 = vector.shape_cast %swap3A_599 : vector<1x16xf32> to vector<16xf32>
    %swap3A_601 = vector.shape_cast %broadcast_in_dim3A_14 : vector<16xf32> to vector<1x16xf32>
    tpu.vector_store %arg8[%swap3A_597, %swap3A_598], %swap3A_601 {strides = array<i32>} : memref<16x128xf32, #tpu.memory_space<vmem>>, vector<1x16xf32>,
    %swap3A_602 = arith.constant 12 : i32
    %swap3A_603 = arith.index_cast %swap3A_602 : i32 to index
    %swap3A_604 = arith.constant 32 : index
    %swap3A_605 = tpu.vector_load %arg8[%swap3A_603, %swap3A_604] {strides = array<i32>} : memref<16x128xf32, #tpu.memory_space<vmem>>, vector<1x16xf32>,
    %swap3A_606 = vector.shape_cast %swap3A_605 : vector<1x16xf32> to vector<16xf32>
    %swap3A_607 = vector.shape_cast %broadcast_in_dim3A_14 : vector<16xf32> to vector<1x16xf32>
    tpu.vector_store %arg8[%swap3A_603, %swap3A_604], %swap3A_607 {strides = array<i32>} : memref<16x128xf32, #tpu.memory_space<vmem>>, vector<1x16xf32>,
    %swap3A_608 = arith.constant 12 : i32
    %swap3A_609 = arith.index_cast %swap3A_608 : i32 to index
    %swap3A_610 = arith.constant 48 : index
    %swap3A_611 = tpu.vector_load %arg8[%swap3A_609, %swap3A_610] {strides = array<i32>} : memref<16x128xf32, #tpu.memory_space<vmem>>, vector<1x16xf32>,
    %swap3A_612 = vector.shape_cast %swap3A_611 : vector<1x16xf32> to vector<16xf32>
    %swap3A_613 = vector.shape_cast %broadcast_in_dim3A_14 : vector<16xf32> to vector<1x16xf32>
    tpu.vector_store %arg8[%swap3A_609, %swap3A_610], %swap3A_613 {strides = array<i32>} : memref<16x128xf32, #tpu.memory_space<vmem>>, vector<1x16xf32>,
    %swap3A_614 = arith.constant 12 : i32
    %swap3A_615 = arith.index_cast %swap3A_614 : i32 to index
    %swap3A_616 = arith.constant 64 : index
    %swap3A_617 = tpu.vector_load %arg8[%swap3A_615, %swap3A_616] {strides = array<i32>} : memref<16x128xf32, #tpu.memory_space<vmem>>, vector<1x16xf32>,
    %swap3A_618 = vector.shape_cast %swap3A_617 : vector<1x16xf32> to vector<16xf32>
    %swap3A_619 = vector.shape_cast %broadcast_in_dim3A_14 : vector<16xf32> to vector<1x16xf32>
    tpu.vector_store %arg8[%swap3A_615, %swap3A_616], %swap3A_619 {strides = array<i32>} : memref<16x128xf32, #tpu.memory_space<vmem>>, vector<1x16xf32>,
    %swap3A_620 = arith.constant 12 : i32
    %swap3A_621 = arith.index_cast %swap3A_620 : i32 to index
    %swap3A_622 = arith.constant 80 : index
    %swap3A_623 = tpu.vector_load %arg8[%swap3A_621, %swap3A_622] {strides = array<i32>} : memref<16x128xf32, #tpu.memory_space<vmem>>, vector<1x16xf32>,
    %swap3A_624 = vector.shape_cast %swap3A_623 : vector<1x16xf32> to vector<16xf32>
    %swap3A_625 = vector.shape_cast %broadcast_in_dim3A_14 : vector<16xf32> to vector<1x16xf32>
    tpu.vector_store %arg8[%swap3A_621, %swap3A_622], %swap3A_625 {strides = array<i32>} : memref<16x128xf32, #tpu.memory_space<vmem>>, vector<1x16xf32>,
    %swap3A_626 = arith.constant 12 : i32
    %swap3A_627 = arith.index_cast %swap3A_626 : i32 to index
    %swap3A_628 = arith.constant 96 : index
    %swap3A_629 = tpu.vector_load %arg8[%swap3A_627, %swap3A_628] {strides = array<i32>} : memref<16x128xf32, #tpu.memory_space<vmem>>, vector<1x16xf32>,
    %swap3A_630 = vector.shape_cast %swap3A_629 : vector<1x16xf32> to vector<16xf32>
    %swap3A_631 = vector.shape_cast %broadcast_in_dim3A_14 : vector<16xf32> to vector<1x16xf32>
    tpu.vector_store %arg8[%swap3A_627, %swap3A_628], %swap3A_631 {strides = array<i32>} : memref<16x128xf32, #tpu.memory_space<vmem>>, vector<1x16xf32>,
    %swap3A_632 = arith.constant 12 : i32
    %swap3A_633 = arith.index_cast %swap3A_632 : i32 to index
    %swap3A_634 = arith.constant 112 : index
    %swap3A_635 = tpu.vector_load %arg8[%swap3A_633, %swap3A_634] {strides = array<i32>} : memref<16x128xf32, #tpu.memory_space<vmem>>, vector<1x16xf32>,
    %swap3A_636 = vector.shape_cast %swap3A_635 : vector<1x16xf32> to vector<16xf32>
    %swap3A_637 = vector.shape_cast %broadcast_in_dim3A_14 : vector<16xf32> to vector<1x16xf32>
    tpu.vector_store %arg8[%swap3A_633, %swap3A_634], %swap3A_637 {strides = array<i32>} : memref<16x128xf32, #tpu.memory_space<vmem>>, vector<1x16xf32>,
    %swap3A_638 = arith.constant 13 : i32
    %swap3A_639 = arith.index_cast %swap3A_638 : i32 to index
    %swap3A_640 = arith.constant 0 : index
    %swap3A_641 = tpu.vector_load %arg8[%swap3A_639, %swap3A_640] {strides = array<i32>} : memref<16x128xf32, #tpu.memory_space<vmem>>, vector<1x16xf32>,
    %swap3A_642 = vector.shape_cast %swap3A_641 : vector<1x16xf32> to vector<16xf32>
    %swap3A_643 = vector.shape_cast %broadcast_in_dim3A_14 : vector<16xf32> to vector<1x16xf32>
    tpu.vector_store %arg8[%swap3A_639, %swap3A_640], %swap3A_643 {strides = array<i32>} : memref<16x128xf32, #tpu.memory_space<vmem>>, vector<1x16xf32>,
    %swap3A_644 = arith.constant 13 : i32
    %swap3A_645 = arith.index_cast %swap3A_644 : i32 to index
    %swap3A_646 = arith.constant 16 : index
    %swap3A_647 = tpu.vector_load %arg8[%swap3A_645, %swap3A_646] {strides = array<i32>} : memref<16x128xf32, #tpu.memory_space<vmem>>, vector<1x16xf32>,
    %swap3A_648 = vector.shape_cast %swap3A_647 : vector<1x16xf32> to vector<16xf32>
    %swap3A_649 = vector.shape_cast %broadcast_in_dim3A_14 : vector<16xf32> to vector<1x16xf32>
    tpu.vector_store %arg8[%swap3A_645, %swap3A_646], %swap3A_649 {strides = array<i32>} : memref<16x128xf32, #tpu.memory_space<vmem>>, vector<1x16xf32>,
    %swap3A_650 = arith.constant 13 : i32
    %swap3A_651 = arith.index_cast %swap3A_650 : i32 to index
    %swap3A_652 = arith.constant 32 : index
    %swap3A_653 = tpu.vector_load %arg8[%swap3A_651, %swap3A_652] {strides = array<i32>} : memref<16x128xf32, #tpu.memory_space<vmem>>, vector<1x16xf32>,
    %swap3A_654 = vector.shape_cast %swap3A_653 : vector<1x16xf32> to vector<16xf32>
    %swap3A_655 = vector.shape_cast %broadcast_in_dim3A_14 : vector<16xf32> to vector<1x16xf32>
    tpu.vector_store %arg8[%swap3A_651, %swap3A_652], %swap3A_655 {strides = array<i32>} : memref<16x128xf32, #tpu.memory_space<vmem>>, vector<1x16xf32>,
    %swap3A_656 = arith.constant 13 : i32
    %swap3A_657 = arith.index_cast %swap3A_656 : i32 to index
    %swap3A_658 = arith.constant 48 : index
    %swap3A_659 = tpu.vector_load %arg8[%swap3A_657, %swap3A_658] {strides = array<i32>} : memref<16x128xf32, #tpu.memory_space<vmem>>, vector<1x16xf32>,
    %swap3A_660 = vector.shape_cast %swap3A_659 : vector<1x16xf32> to vector<16xf32>
    %swap3A_661 = vector.shape_cast %broadcast_in_dim3A_14 : vector<16xf32> to vector<1x16xf32>
    tpu.vector_store %arg8[%swap3A_657, %swap3A_658], %swap3A_661 {strides = array<i32>} : memref<16x128xf32, #tpu.memory_space<vmem>>, vector<1x16xf32>,
    %swap3A_662 = arith.constant 13 : i32
    %swap3A_663 = arith.index_cast %swap3A_662 : i32 to index
    %swap3A_664 = arith.constant 64 : index
    %swap3A_665 = tpu.vector_load %arg8[%swap3A_663, %swap3A_664] {strides = array<i32>} : memref<16x128xf32, #tpu.memory_space<vmem>>, vector<1x16xf32>,
    %swap3A_666 = vector.shape_cast %swap3A_665 : vector<1x16xf32> to vector<16xf32>
    %swap3A_667 = vector.shape_cast %broadcast_in_dim3A_14 : vector<16xf32> to vector<1x16xf32>
    tpu.vector_store %arg8[%swap3A_663, %swap3A_664], %swap3A_667 {strides = array<i32>} : memref<16x128xf32, #tpu.memory_space<vmem>>, vector<1x16xf32>,
    %swap3A_668 = arith.constant 13 : i32
    %swap3A_669 = arith.index_cast %swap3A_668 : i32 to index
    %swap3A_670 = arith.constant 80 : index
    %swap3A_671 = tpu.vector_load %arg8[%swap3A_669, %swap3A_670] {strides = array<i32>} : memref<16x128xf32, #tpu.memory_space<vmem>>, vector<1x16xf32>,
    %swap3A_672 = vector.shape_cast %swap3A_671 : vector<1x16xf32> to vector<16xf32>
    %swap3A_673 = vector.shape_cast %broadcast_in_dim3A_14 : vector<16xf32> to vector<1x16xf32>
    tpu.vector_store %arg8[%swap3A_669, %swap3A_670], %swap3A_673 {strides = array<i32>} : memref<16x128xf32, #tpu.memory_space<vmem>>, vector<1x16xf32>,
    %swap3A_674 = arith.constant 13 : i32
    %swap3A_675 = arith.index_cast %swap3A_674 : i32 to index
    %swap3A_676 = arith.constant 96 : index
    %swap3A_677 = tpu.vector_load %arg8[%swap3A_675, %swap3A_676] {strides = array<i32>} : memref<16x128xf32, #tpu.memory_space<vmem>>, vector<1x16xf32>,
    %swap3A_678 = vector.shape_cast %swap3A_677 : vector<1x16xf32> to vector<16xf32>
    %swap3A_679 = vector.shape_cast %broadcast_in_dim3A_14 : vector<16xf32> to vector<1x16xf32>
    tpu.vector_store %arg8[%swap3A_675, %swap3A_676], %swap3A_679 {strides = array<i32>} : memref<16x128xf32, #tpu.memory_space<vmem>>, vector<1x16xf32>,
    %swap3A_680 = arith.constant 13 : i32
    %swap3A_681 = arith.index_cast %swap3A_680 : i32 to index
    %swap3A_682 = arith.constant 112 : index
    %swap3A_683 = tpu.vector_load %arg8[%swap3A_681, %swap3A_682] {strides = array<i32>} : memref<16x128xf32, #tpu.memory_space<vmem>>, vector<1x16xf32>,
    %swap3A_684 = vector.shape_cast %swap3A_683 : vector<1x16xf32> to vector<16xf32>
    %swap3A_685 = vector.shape_cast %broadcast_in_dim3A_14 : vector<16xf32> to vector<1x16xf32>
    tpu.vector_store %arg8[%swap3A_681, %swap3A_682], %swap3A_685 {strides = array<i32>} : memref<16x128xf32, #tpu.memory_space<vmem>>, vector<1x16xf32>,
    %swap3A_686 = arith.constant 14 : i32
    %swap3A_687 = arith.index_cast %swap3A_686 : i32 to index
    %swap3A_688 = arith.constant 0 : index
    %swap3A_689 = tpu.vector_load %arg8[%swap3A_687, %swap3A_688] {strides = array<i32>} : memref<16x128xf32, #tpu.memory_space<vmem>>, vector<1x16xf32>,
    %swap3A_690 = vector.shape_cast %swap3A_689 : vector<1x16xf32> to vector<16xf32>
    %swap3A_691 = vector.shape_cast %broadcast_in_dim3A_14 : vector<16xf32> to vector<1x16xf32>
    tpu.vector_store %arg8[%swap3A_687, %swap3A_688], %swap3A_691 {strides = array<i32>} : memref<16x128xf32, #tpu.memory_space<vmem>>, vector<1x16xf32>,
    %swap3A_692 = arith.constant 14 : i32
    %swap3A_693 = arith.index_cast %swap3A_692 : i32 to index
    %swap3A_694 = arith.constant 16 : index
    %swap3A_695 = tpu.vector_load %arg8[%swap3A_693, %swap3A_694] {strides = array<i32>} : memref<16x128xf32, #tpu.memory_space<vmem>>, vector<1x16xf32>,
    %swap3A_696 = vector.shape_cast %swap3A_695 : vector<1x16xf32> to vector<16xf32>
    %swap3A_697 = vector.shape_cast %broadcast_in_dim3A_14 : vector<16xf32> to vector<1x16xf32>
    tpu.vector_store %arg8[%swap3A_693, %swap3A_694], %swap3A_697 {strides = array<i32>} : memref<16x128xf32, #tpu.memory_space<vmem>>, vector<1x16xf32>,
    %swap3A_698 = arith.constant 14 : i32
    %swap3A_699 = arith.index_cast %swap3A_698 : i32 to index
    %swap3A_700 = arith.constant 32 : index
    %swap3A_701 = tpu.vector_load %arg8[%swap3A_699, %swap3A_700] {strides = array<i32>} : memref<16x128xf32, #tpu.memory_space<vmem>>, vector<1x16xf32>,
    %swap3A_702 = vector.shape_cast %swap3A_701 : vector<1x16xf32> to vector<16xf32>
    %swap3A_703 = vector.shape_cast %broadcast_in_dim3A_14 : vector<16xf32> to vector<1x16xf32>
    tpu.vector_store %arg8[%swap3A_699, %swap3A_700], %swap3A_703 {strides = array<i32>} : memref<16x128xf32, #tpu.memory_space<vmem>>, vector<1x16xf32>,
    %swap3A_704 = arith.constant 14 : i32
    %swap3A_705 = arith.index_cast %swap3A_704 : i32 to index
    %swap3A_706 = arith.constant 48 : index
    %swap3A_707 = tpu.vector_load %arg8[%swap3A_705, %swap3A_706] {strides = array<i32>} : memref<16x128xf32, #tpu.memory_space<vmem>>, vector<1x16xf32>,
    %swap3A_708 = vector.shape_cast %swap3A_707 : vector<1x16xf32> to vector<16xf32>
    %swap3A_709 = vector.shape_cast %broadcast_in_dim3A_14 : vector<16xf32> to vector<1x16xf32>
    tpu.vector_store %arg8[%swap3A_705, %swap3A_706], %swap3A_709 {strides = array<i32>} : memref<16x128xf32, #tpu.memory_space<vmem>>, vector<1x16xf32>,
    %swap3A_710 = arith.constant 14 : i32
    %swap3A_711 = arith.index_cast %swap3A_710 : i32 to index
    %swap3A_712 = arith.constant 64 : index
    %swap3A_713 = tpu.vector_load %arg8[%swap3A_711, %swap3A_712] {strides = array<i32>} : memref<16x128xf32, #tpu.memory_space<vmem>>, vector<1x16xf32>,
    %swap3A_714 = vector.shape_cast %swap3A_713 : vector<1x16xf32> to vector<16xf32>
    %swap3A_715 = vector.shape_cast %broadcast_in_dim3A_14 : vector<16xf32> to vector<1x16xf32>
    tpu.vector_store %arg8[%swap3A_711, %swap3A_712], %swap3A_715 {strides = array<i32>} : memref<16x128xf32, #tpu.memory_space<vmem>>, vector<1x16xf32>,
    %swap3A_716 = arith.constant 14 : i32
    %swap3A_717 = arith.index_cast %swap3A_716 : i32 to index
    %swap3A_718 = arith.constant 80 : index
    %swap3A_719 = tpu.vector_load %arg8[%swap3A_717, %swap3A_718] {strides = array<i32>} : memref<16x128xf32, #tpu.memory_space<vmem>>, vector<1x16xf32>,
    %swap3A_720 = vector.shape_cast %swap3A_719 : vector<1x16xf32> to vector<16xf32>
    %swap3A_721 = vector.shape_cast %broadcast_in_dim3A_14 : vector<16xf32> to vector<1x16xf32>
    tpu.vector_store %arg8[%swap3A_717, %swap3A_718], %swap3A_721 {strides = array<i32>} : memref<16x128xf32, #tpu.memory_space<vmem>>, vector<1x16xf32>,
    %swap3A_722 = arith.constant 14 : i32
    %swap3A_723 = arith.index_cast %swap3A_722 : i32 to index
    %swap3A_724 = arith.constant 96 : index
    %swap3A_725 = tpu.vector_load %arg8[%swap3A_723, %swap3A_724] {strides = array<i32>} : memref<16x128xf32, #tpu.memory_space<vmem>>, vector<1x16xf32>,
    %swap3A_726 = vector.shape_cast %swap3A_725 : vector<1x16xf32> to vector<16xf32>
    %swap3A_727 = vector.shape_cast %broadcast_in_dim3A_14 : vector<16xf32> to vector<1x16xf32>
    tpu.vector_store %arg8[%swap3A_723, %swap3A_724], %swap3A_727 {strides = array<i32>} : memref<16x128xf32, #tpu.memory_space<vmem>>, vector<1x16xf32>,
    %swap3A_728 = arith.constant 14 : i32
    %swap3A_729 = arith.index_cast %swap3A_728 : i32 to index
    %swap3A_730 = arith.constant 112 : index
    %swap3A_731 = tpu.vector_load %arg8[%swap3A_729, %swap3A_730] {strides = array<i32>} : memref<16x128xf32, #tpu.memory_space<vmem>>, vector<1x16xf32>,
    %swap3A_732 = vector.shape_cast %swap3A_731 : vector<1x16xf32> to vector<16xf32>
    %swap3A_733 = vector.shape_cast %broadcast_in_dim3A_14 : vector<16xf32> to vector<1x16xf32>
    tpu.vector_store %arg8[%swap3A_729, %swap3A_730], %swap3A_733 {strides = array<i32>} : memref<16x128xf32, #tpu.memory_space<vmem>>, vector<1x16xf32>,
    %swap3A_734 = arith.constant 15 : i32
    %swap3A_735 = arith.index_cast %swap3A_734 : i32 to index
    %swap3A_736 = arith.constant 0 : index
    %swap3A_737 = tpu.vector_load %arg8[%swap3A_735, %swap3A_736] {strides = array<i32>} : memref<16x128xf32, #tpu.memory_space<vmem>>, vector<1x16xf32>,
    %swap3A_738 = vector.shape_cast %swap3A_737 : vector<1x16xf32> to vector<16xf32>
    %swap3A_739 = vector.shape_cast %broadcast_in_dim3A_14 : vector<16xf32> to vector<1x16xf32>
    tpu.vector_store %arg8[%swap3A_735, %swap3A_736], %swap3A_739 {strides = array<i32>} : memref<16x128xf32, #tpu.memory_space<vmem>>, vector<1x16xf32>,
    %swap3A_740 = arith.constant 15 : i32
    %swap3A_741 = arith.index_cast %swap3A_740 : i32 to index
    %swap3A_742 = arith.constant 16 : index
    %swap3A_743 = tpu.vector_load %arg8[%swap3A_741, %swap3A_742] {strides = array<i32>} : memref<16x128xf32, #tpu.memory_space<vmem>>, vector<1x16xf32>,
    %swap3A_744 = vector.shape_cast %swap3A_743 : vector<1x16xf32> to vector<16xf32>
    %swap3A_745 = vector.shape_cast %broadcast_in_dim3A_14 : vector<16xf32> to vector<1x16xf32>
    tpu.vector_store %arg8[%swap3A_741, %swap3A_742], %swap3A_745 {strides = array<i32>} : memref<16x128xf32, #tpu.memory_space<vmem>>, vector<1x16xf32>,
    %swap3A_746 = arith.constant 15 : i32
    %swap3A_747 = arith.index_cast %swap3A_746 : i32 to index
    %swap3A_748 = arith.constant 32 : index
    %swap3A_749 = tpu.vector_load %arg8[%swap3A_747, %swap3A_748] {strides = array<i32>} : memref<16x128xf32, #tpu.memory_space<vmem>>, vector<1x16xf32>,
    %swap3A_750 = vector.shape_cast %swap3A_749 : vector<1x16xf32> to vector<16xf32>
    %swap3A_751 = vector.shape_cast %broadcast_in_dim3A_14 : vector<16xf32> to vector<1x16xf32>
    tpu.vector_store %arg8[%swap3A_747, %swap3A_748], %swap3A_751 {strides = array<i32>} : memref<16x128xf32, #tpu.memory_space<vmem>>, vector<1x16xf32>,
    %swap3A_752 = arith.constant 15 : i32
    %swap3A_753 = arith.index_cast %swap3A_752 : i32 to index
    %swap3A_754 = arith.constant 48 : index
    %swap3A_755 = tpu.vector_load %arg8[%swap3A_753, %swap3A_754] {strides = array<i32>} : memref<16x128xf32, #tpu.memory_space<vmem>>, vector<1x16xf32>,
    %swap3A_756 = vector.shape_cast %swap3A_755 : vector<1x16xf32> to vector<16xf32>
    %swap3A_757 = vector.shape_cast %broadcast_in_dim3A_14 : vector<16xf32> to vector<1x16xf32>
    tpu.vector_store %arg8[%swap3A_753, %swap3A_754], %swap3A_757 {strides = array<i32>} : memref<16x128xf32, #tpu.memory_space<vmem>>, vector<1x16xf32>,
    %swap3A_758 = arith.constant 15 : i32
    %swap3A_759 = arith.index_cast %swap3A_758 : i32 to index
    %swap3A_760 = arith.constant 64 : index
    %swap3A_761 = tpu.vector_load %arg8[%swap3A_759, %swap3A_760] {strides = array<i32>} : memref<16x128xf32, #tpu.memory_space<vmem>>, vector<1x16xf32>,
    %swap3A_762 = vector.shape_cast %swap3A_761 : vector<1x16xf32> to vector<16xf32>
    %swap3A_763 = vector.shape_cast %broadcast_in_dim3A_14 : vector<16xf32> to vector<1x16xf32>
    tpu.vector_store %arg8[%swap3A_759, %swap3A_760], %swap3A_763 {strides = array<i32>} : memref<16x128xf32, #tpu.memory_space<vmem>>, vector<1x16xf32>,
    %swap3A_764 = arith.constant 15 : i32
    %swap3A_765 = arith.index_cast %swap3A_764 : i32 to index
    %swap3A_766 = arith.constant 80 : index
    %swap3A_767 = tpu.vector_load %arg8[%swap3A_765, %swap3A_766] {strides = array<i32>} : memref<16x128xf32, #tpu.memory_space<vmem>>, vector<1x16xf32>,
    %swap3A_768 = vector.shape_cast %swap3A_767 : vector<1x16xf32> to vector<16xf32>
    %swap3A_769 = vector.shape_cast %broadcast_in_dim3A_14 : vector<16xf32> to vector<1x16xf32>
    tpu.vector_store %arg8[%swap3A_765, %swap3A_766], %swap3A_769 {strides = array<i32>} : memref<16x128xf32, #tpu.memory_space<vmem>>, vector<1x16xf32>,
    %swap3A_770 = arith.constant 15 : i32
    %swap3A_771 = arith.index_cast %swap3A_770 : i32 to index
    %swap3A_772 = arith.constant 96 : index
    %swap3A_773 = tpu.vector_load %arg8[%swap3A_771, %swap3A_772] {strides = array<i32>} : memref<16x128xf32, #tpu.memory_space<vmem>>, vector<1x16xf32>,
    %swap3A_774 = vector.shape_cast %swap3A_773 : vector<1x16xf32> to vector<16xf32>
    %swap3A_775 = vector.shape_cast %broadcast_in_dim3A_14 : vector<16xf32> to vector<1x16xf32>
    tpu.vector_store %arg8[%swap3A_771, %swap3A_772], %swap3A_775 {strides = array<i32>} : memref<16x128xf32, #tpu.memory_space<vmem>>, vector<1x16xf32>,
    %swap3A_776 = arith.constant 15 : i32
    %swap3A_777 = arith.index_cast %swap3A_776 : i32 to index
    %swap3A_778 = arith.constant 112 : index
    %swap3A_779 = tpu.vector_load %arg8[%swap3A_777, %swap3A_778] {strides = array<i32>} : memref<16x128xf32, #tpu.memory_space<vmem>>, vector<1x16xf32>,
    %swap3A_780 = vector.shape_cast %swap3A_779 : vector<1x16xf32> to vector<16xf32>
    %swap3A_781 = vector.shape_cast %broadcast_in_dim3A_14 : vector<16xf32> to vector<1x16xf32>
    tpu.vector_store %arg8[%swap3A_777, %swap3A_778], %swap3A_781 {strides = array<i32>} : memref<16x128xf32, #tpu.memory_space<vmem>>, vector<1x16xf32>,
    %mul3A_782 = arith.constant 16 : i32
    %mul3A_783 = arith.muli %arg1, %mul3A_782 : i32
    "tpu.region"() ({
      %run_scoped3A_801 = tpu.sem_alloc : memref<!tpu.dma_semaphore, #tpu.memory_space<semaphore_mem>>
      %dma_start3A_802 = arith.constant 0 : i32
      %dma_start3A_803 = tpu.memref_slice %arg9[%mul3A_783, %dma_start3A_802] : memref<256x128xf32, #tpu.memory_space<vmem_shared>> -> memref<16x128xf32, #tpu.memory_space<vmem_shared>>
      %dma_start3A_804 = arith.constant 0 : i32
      %dma_start3A_805 = tpu.memref_slice %arg9[%mul3A_783, %dma_start3A_804] : memref<256x128xf32, #tpu.memory_space<vmem_shared>> -> memref<16x128xf32, #tpu.memory_space<vmem_shared>>
      tpu.enqueue_dma source(%arg8 : memref<16x128xf32, #tpu.memory_space<vmem>>) target(%dma_start3A_805 : memref<16x128xf32, #tpu.memory_space<vmem_shared>>) target_semaphore(%run_scoped3A_801 : memref<!tpu.dma_semaphore, #tpu.memory_space<semaphore_mem>>)
      %dma_wait3A_806 = arith.constant 0 : i32
      %dma_wait3A_807 = tpu.memref_slice %arg9[%mul3A_783, %dma_wait3A_806] : memref<256x128xf32, #tpu.memory_space<vmem_shared>> -> memref<16x128xf32, #tpu.memory_space<vmem_shared>>
      %dma_wait3A_808 = arith.constant 0 : i32
      %dma_wait3A_809 = tpu.memref_slice %arg9[%mul3A_783, %dma_wait3A_808] : memref<256x128xf32, #tpu.memory_space<vmem_shared>> -> memref<16x128xf32, #tpu.memory_space<vmem_shared>>
      tpu.wait_dma2 semaphore(%run_scoped3A_801 : memref<!tpu.dma_semaphore, #tpu.memory_space<semaphore_mem>>) src(%arg8 : memref<16x128xf32, #tpu.memory_space<vmem>>) dst(%dma_wait3A_809 : memref<16x128xf32, #tpu.memory_space<vmem_shared>>)
      tpu.yield
    }) : () -> ()
    %barrier3A = arith.constant 0 : index
    tpu.barrier barrier_id(%barrier3A)
    %mul3A_784 = arith.constant 17 : i32
    %mul3A_785 = arith.muli %add3A, %mul3A_784 : i32
    "tpu.region"() ({
      %run_scoped3A_801 = tpu.sem_alloc : memref<!tpu.dma_semaphore, #tpu.memory_space<semaphore_mem>>
      %dma_start3A_802 = arith.constant 0 : i32
      %dma_start3A_803 = tpu.memref_slice %arg3[%mul3A_785, %dma_start3A_802] : memref<544x125xi32, #tpu.memory_space<hbm>> -> memref<17x125xi32, #tpu.memory_space<hbm>>
      %dma_start3A_804 = arith.constant 0 : i32
      %dma_start3A_805 = tpu.memref_slice %arg3[%mul3A_785, %dma_start3A_804] : memref<544x125xi32, #tpu.memory_space<hbm>> -> memref<17x125xi32, #tpu.memory_space<hbm>>
      tpu.enqueue_dma source(%dma_start3A_805 : memref<17x125xi32, #tpu.memory_space<hbm>>) target(%arg5 : memref<17x125xi32, #tpu.memory_space<vmem>>) target_semaphore(%run_scoped3A_801 : memref<!tpu.dma_semaphore, #tpu.memory_space<semaphore_mem>>)
      %dma_wait3A_806 = arith.constant 0 : i32
      %dma_wait3A_807 = tpu.memref_slice %arg3[%mul3A_785, %dma_wait3A_806] : memref<544x125xi32, #tpu.memory_space<hbm>> -> memref<17x125xi32, #tpu.memory_space<hbm>>
      %dma_wait3A_808 = arith.constant 0 : i32
      %dma_wait3A_809 = tpu.memref_slice %arg3[%mul3A_785, %dma_wait3A_808] : memref<544x125xi32, #tpu.memory_space<hbm>> -> memref<17x125xi32, #tpu.memory_space<hbm>>
      tpu.wait_dma2 semaphore(%run_scoped3A_801 : memref<!tpu.dma_semaphore, #tpu.memory_space<semaphore_mem>>) src(%dma_wait3A_809 : memref<17x125xi32, #tpu.memory_space<hbm>>) dst(%arg5 : memref<17x125xi32, #tpu.memory_space<vmem>>)
      tpu.yield
    }) : () -> ()
    %scan3A = arith.constant 0 : i32
    %scan3A_786 = arith.constant 0 : i32
    %scan3A_787 = arith.constant 8 : i32
    %scan3A_788 = arith.addi %scan3A_786, %scan3A_787 : i32
    %scan3A_789 = arith.constant 1 : i32
    scf.for %scan3A_801 = %scan3A_786 to %scan3A_788 step %scan3A_789  : i32 {
      %mul3A_802 = arith.constant 2 : i32
      %mul3A_803 = arith.muli %mul3A_802, %scan3A_801 : i32
      %add3A_804 = arith.constant 1 : i32
      %add3A_805 = arith.addi %mul3A_803, %add3A_804 : i32
      %mul3A_806 = arith.constant 125 : i32
      %mul3A_807 = arith.muli %mul3A_803, %mul3A_806 : i32
      %add3A_808 = arith.addi %mul3A_2, %mul3A_807 : i32
      %dma_wait3A_809 = arith.constant 0 : i32
      %dma_wait3A_810 = tpu.memref_slice %arg2[%add3A_808, %dma_wait3A_809] : memref<100000x128xf32, #tpu.memory_space<hbm>> -> memref<125x128xf32, #tpu.memory_space<hbm>>
      %dma_wait3A_811 = arith.constant 0 : i32
      %dma_wait3A_812 = tpu.memref_slice %arg2[%add3A_808, %dma_wait3A_811] : memref<100000x128xf32, #tpu.memory_space<hbm>> -> memref<125x128xf32, #tpu.memory_space<hbm>>
      tpu.wait_dma2 semaphore(%arg10 : memref<!tpu.dma_semaphore, #tpu.memory_space<semaphore_mem>>) src(%dma_wait3A_812 : memref<125x128xf32, #tpu.memory_space<hbm>>) dst(%arg6 : memref<125x128xf32, #tpu.memory_space<vmem>>)
      %dma_start3A_813 = arith.constant 0 : i32
      %dma_start3A_814 = tpu.memref_slice %arg5[%mul3A_803, %dma_start3A_813] : memref<17x125xi32, #tpu.memory_space<vmem>> -> memref<1x125xi32, #tpu.memory_space<vmem>>
      %dma_start3A_815 = tpu.memref_squeeze %dma_start3A_814 : memref<1x125xi32, #tpu.memory_space<vmem>> -> memref<125xi32, #tpu.memory_space<vmem>>
      %dma_start3A_816 = arith.constant 0 : i32
      %dma_start3A_817 = arith.constant 0 : i32
      %dma_start3A_818 = tpu.memref_slice %arg9[%dma_start3A_816, %dma_start3A_817] : memref<256x128xf32, #tpu.memory_space<vmem_shared>> -> memref<256x128xf32, #tpu.memory_space<vmem_shared>>
      tpu.enqueue_indirect_dma source(%arg6 : memref<125x128xf32, #tpu.memory_space<vmem>>) target(%dma_start3A_818 : memref<256x128xf32, #tpu.memory_space<vmem_shared>>) offsets(%dma_start3A_815 : memref<125xi32, #tpu.memory_space<vmem>>) semaphore(%arg12 : memref<!tpu.dma_semaphore, #tpu.memory_space<semaphore_mem>>) {add = true}
      %mul3A_819 = arith.constant 125 : i32
      %mul3A_820 = arith.muli %add3A_805, %mul3A_819 : i32
      %add3A_821 = arith.addi %mul3A_2, %mul3A_820 : i32
      %dma_wait3A_822 = arith.constant 0 : i32
      %dma_wait3A_823 = tpu.memref_slice %arg2[%add3A_821, %dma_wait3A_822] : memref<100000x128xf32, #tpu.memory_space<hbm>> -> memref<125x128xf32, #tpu.memory_space<hbm>>
      %dma_wait3A_824 = arith.constant 0 : i32
      %dma_wait3A_825 = tpu.memref_slice %arg2[%add3A_821, %dma_wait3A_824] : memref<100000x128xf32, #tpu.memory_space<hbm>> -> memref<125x128xf32, #tpu.memory_space<hbm>>
      tpu.wait_dma2 semaphore(%arg11 : memref<!tpu.dma_semaphore, #tpu.memory_space<semaphore_mem>>) src(%dma_wait3A_825 : memref<125x128xf32, #tpu.memory_space<hbm>>) dst(%arg7 : memref<125x128xf32, #tpu.memory_space<vmem>>)
      %dma_start3A_826 = arith.constant 0 : i32
      %dma_start3A_827 = tpu.memref_slice %arg5[%add3A_805, %dma_start3A_826] : memref<17x125xi32, #tpu.memory_space<vmem>> -> memref<1x125xi32, #tpu.memory_space<vmem>>
      %dma_start3A_828 = tpu.memref_squeeze %dma_start3A_827 : memref<1x125xi32, #tpu.memory_space<vmem>> -> memref<125xi32, #tpu.memory_space<vmem>>
      %dma_start3A_829 = arith.constant 0 : i32
      %dma_start3A_830 = arith.constant 0 : i32
      %dma_start3A_831 = tpu.memref_slice %arg9[%dma_start3A_829, %dma_start3A_830] : memref<256x128xf32, #tpu.memory_space<vmem_shared>> -> memref<256x128xf32, #tpu.memory_space<vmem_shared>>
      tpu.enqueue_indirect_dma source(%arg7 : memref<125x128xf32, #tpu.memory_space<vmem>>) target(%dma_start3A_831 : memref<256x128xf32, #tpu.memory_space<vmem_shared>>) offsets(%dma_start3A_828 : memref<125xi32, #tpu.memory_space<vmem>>) semaphore(%arg13 : memref<!tpu.dma_semaphore, #tpu.memory_space<semaphore_mem>>) {add = true}
      %dma_wait3A_832 = arith.constant 0 : i32
      %dma_wait3A_833 = tpu.memref_slice %arg5[%mul3A_803, %dma_wait3A_832] : memref<17x125xi32, #tpu.memory_space<vmem>> -> memref<1x125xi32, #tpu.memory_space<vmem>>
      %dma_wait3A_834 = tpu.memref_squeeze %dma_wait3A_833 : memref<1x125xi32, #tpu.memory_space<vmem>> -> memref<125xi32, #tpu.memory_space<vmem>>
      %dma_wait3A_835 = arith.constant 0 : i32
      %dma_wait3A_836 = arith.constant 0 : i32
      %dma_wait3A_837 = tpu.memref_slice %arg9[%dma_wait3A_835, %dma_wait3A_836] : memref<256x128xf32, #tpu.memory_space<vmem_shared>> -> memref<256x128xf32, #tpu.memory_space<vmem_shared>>
      tpu.wait_indirect_dma semaphore(%arg12 : memref<!tpu.dma_semaphore, #tpu.memory_space<semaphore_mem>>) src(%arg6 : memref<125x128xf32, #tpu.memory_space<vmem>>) dst(%dma_wait3A_837 : memref<256x128xf32, #tpu.memory_space<vmem_shared>>)
      %add3A_838 = arith.constant 2 : i32
      %add3A_839 = arith.addi %mul3A_803, %add3A_838 : i32
      %lt3A = arith.constant 17 : i32
      %lt3A_840 = arith.cmpi slt, %add3A_839, %lt3A : i32
      %convert_element_type3A = arith.extui %lt3A_840 : i1 to i32
      %cond3A = arith.constant 0 : i32
      %cond3A_841 = arith.cmpi ne, %convert_element_type3A, %cond3A : i32
      scf.if %cond3A_841 {
        %add3A_855 = arith.constant 2 : i32
        %add3A_856 = arith.addi %mul3A_803, %add3A_855 : i32
        %mul3A_857 = arith.constant 125 : i32
        %mul3A_858 = arith.muli %add3A_856, %mul3A_857 : i32
        %add3A_859 = arith.addi %mul3A_2, %mul3A_858 : i32
        %dma_start3A_860 = arith.constant 0 : i32
        %dma_start3A_861 = tpu.memref_slice %arg2[%add3A_859, %dma_start3A_860] : memref<100000x128xf32, #tpu.memory_space<hbm>> -> memref<125x128xf32, #tpu.memory_space<hbm>>
        %dma_start3A_862 = arith.constant 0 : i32
        %dma_start3A_863 = tpu.memref_slice %arg2[%add3A_859, %dma_start3A_862] : memref<100000x128xf32, #tpu.memory_space<hbm>> -> memref<125x128xf32, #tpu.memory_space<hbm>>
        tpu.enqueue_dma source(%dma_start3A_863 : memref<125x128xf32, #tpu.memory_space<hbm>>) target(%arg6 : memref<125x128xf32, #tpu.memory_space<vmem>>) target_semaphore(%arg10 : memref<!tpu.dma_semaphore, #tpu.memory_space<semaphore_mem>>)
      } else {
      }
      %dma_wait3A_842 = arith.constant 0 : i32
      %dma_wait3A_843 = tpu.memref_slice %arg5[%add3A_805, %dma_wait3A_842] : memref<17x125xi32, #tpu.memory_space<vmem>> -> memref<1x125xi32, #tpu.memory_space<vmem>>
      %dma_wait3A_844 = tpu.memref_squeeze %dma_wait3A_843 : memref<1x125xi32, #tpu.memory_space<vmem>> -> memref<125xi32, #tpu.memory_space<vmem>>
      %dma_wait3A_845 = arith.constant 0 : i32
      %dma_wait3A_846 = arith.constant 0 : i32
      %dma_wait3A_847 = tpu.memref_slice %arg9[%dma_wait3A_845, %dma_wait3A_846] : memref<256x128xf32, #tpu.memory_space<vmem_shared>> -> memref<256x128xf32, #tpu.memory_space<vmem_shared>>
      tpu.wait_indirect_dma semaphore(%arg13 : memref<!tpu.dma_semaphore, #tpu.memory_space<semaphore_mem>>) src(%arg7 : memref<125x128xf32, #tpu.memory_space<vmem>>) dst(%dma_wait3A_847 : memref<256x128xf32, #tpu.memory_space<vmem_shared>>)
      %add3A_848 = arith.constant 2 : i32
      %add3A_849 = arith.addi %add3A_805, %add3A_848 : i32
      %lt3A_850 = arith.constant 17 : i32
      %lt3A_851 = arith.cmpi slt, %add3A_849, %lt3A_850 : i32
      %convert_element_type3A_852 = arith.extui %lt3A_851 : i1 to i32
      %cond3A_853 = arith.constant 0 : i32
      %cond3A_854 = arith.cmpi ne, %convert_element_type3A_852, %cond3A_853 : i32
      scf.if %cond3A_854 {
        %add3A_855 = arith.constant 2 : i32
        %add3A_856 = arith.addi %add3A_805, %add3A_855 : i32
        %mul3A_857 = arith.constant 125 : i32
        %mul3A_858 = arith.muli %add3A_856, %mul3A_857 : i32
        %add3A_859 = arith.addi %mul3A_2, %mul3A_858 : i32
        %dma_start3A_860 = arith.constant 0 : i32
        %dma_start3A_861 = tpu.memref_slice %arg2[%add3A_859, %dma_start3A_860] : memref<100000x128xf32, #tpu.memory_space<hbm>> -> memref<125x128xf32, #tpu.memory_space<hbm>>
        %dma_start3A_862 = arith.constant 0 : i32
        %dma_start3A_863 = tpu.memref_slice %arg2[%add3A_859, %dma_start3A_862] : memref<100000x128xf32, #tpu.memory_space<hbm>> -> memref<125x128xf32, #tpu.memory_space<hbm>>
        tpu.enqueue_dma source(%dma_start3A_863 : memref<125x128xf32, #tpu.memory_space<hbm>>) target(%arg7 : memref<125x128xf32, #tpu.memory_space<vmem>>) target_semaphore(%arg11 : memref<!tpu.dma_semaphore, #tpu.memory_space<semaphore_mem>>)
      } else {
      }
    }
    %scan3A_790 = arith.constant 8 : i32
    %add3A_791 = arith.constant 2000 : i32
    %add3A_792 = arith.addi %mul3A_2, %add3A_791 : i32
    %dma_wait3A = arith.constant 0 : i32
    %dma_wait3A_793 = tpu.memref_slice %arg2[%add3A_792, %dma_wait3A] : memref<100000x128xf32, #tpu.memory_space<hbm>> -> memref<125x128xf32, #tpu.memory_space<hbm>>
    %dma_wait3A_794 = arith.constant 0 : i32
    %dma_wait3A_795 = tpu.memref_slice %arg2[%add3A_792, %dma_wait3A_794] : memref<100000x128xf32, #tpu.memory_space<hbm>> -> memref<125x128xf32, #tpu.memory_space<hbm>>
    tpu.wait_dma2 semaphore(%arg10 : memref<!tpu.dma_semaphore, #tpu.memory_space<semaphore_mem>>) src(%dma_wait3A_795 : memref<125x128xf32, #tpu.memory_space<hbm>>) dst(%arg6 : memref<125x128xf32, #tpu.memory_space<vmem>>)
    %run_scoped3A = arith.constant 16 : i32
    "tpu.region"() ({
      %run_scoped3A_801 = tpu.sem_alloc : memref<!tpu.dma_semaphore, #tpu.memory_space<semaphore_mem>>
      %dma_start3A_802 = arith.constant 0 : i32
      %dma_start3A_803 = tpu.memref_slice %arg5[%run_scoped3A, %dma_start3A_802] : memref<17x125xi32, #tpu.memory_space<vmem>> -> memref<1x125xi32, #tpu.memory_space<vmem>>
      %dma_start3A_804 = tpu.memref_squeeze %dma_start3A_803 : memref<1x125xi32, #tpu.memory_space<vmem>> -> memref<125xi32, #tpu.memory_space<vmem>>
      %dma_start3A_805 = arith.constant 0 : i32
      %dma_start3A_806 = arith.constant 0 : i32
      %dma_start3A_807 = tpu.memref_slice %arg9[%dma_start3A_805, %dma_start3A_806] : memref<256x128xf32, #tpu.memory_space<vmem_shared>> -> memref<256x128xf32, #tpu.memory_space<vmem_shared>>
      tpu.enqueue_indirect_dma source(%arg6 : memref<125x128xf32, #tpu.memory_space<vmem>>) target(%dma_start3A_807 : memref<256x128xf32, #tpu.memory_space<vmem_shared>>) offsets(%dma_start3A_804 : memref<125xi32, #tpu.memory_space<vmem>>) semaphore(%run_scoped3A_801 : memref<!tpu.dma_semaphore, #tpu.memory_space<semaphore_mem>>) {add = true}
      %dma_wait3A_808 = arith.constant 0 : i32
      %dma_wait3A_809 = tpu.memref_slice %arg5[%run_scoped3A, %dma_wait3A_808] : memref<17x125xi32, #tpu.memory_space<vmem>> -> memref<1x125xi32, #tpu.memory_space<vmem>>
      %dma_wait3A_810 = tpu.memref_squeeze %dma_wait3A_809 : memref<1x125xi32, #tpu.memory_space<vmem>> -> memref<125xi32, #tpu.memory_space<vmem>>
      %dma_wait3A_811 = arith.constant 0 : i32
      %dma_wait3A_812 = arith.constant 0 : i32
      %dma_wait3A_813 = tpu.memref_slice %arg9[%dma_wait3A_811, %dma_wait3A_812] : memref<256x128xf32, #tpu.memory_space<vmem_shared>> -> memref<256x128xf32, #tpu.memory_space<vmem_shared>>
      tpu.wait_indirect_dma semaphore(%run_scoped3A_801 : memref<!tpu.dma_semaphore, #tpu.memory_space<semaphore_mem>>) src(%arg6 : memref<125x128xf32, #tpu.memory_space<vmem>>) dst(%dma_wait3A_813 : memref<256x128xf32, #tpu.memory_space<vmem_shared>>)
      tpu.yield
    }) : () -> ()
    %barrier3A_796 = arith.constant 0 : index
    tpu.barrier barrier_id(%barrier3A_796)
    %mul3A_797 = arith.constant 16 : i32
    %mul3A_798 = arith.muli %arg1, %mul3A_797 : i32
    %mul3A_799 = arith.constant 16 : i32
    %mul3A_800 = arith.muli %arg1, %mul3A_799 : i32
    "tpu.region"() ({
      %run_scoped3A_801 = tpu.sem_alloc : memref<!tpu.dma_semaphore, #tpu.memory_space<semaphore_mem>>
      %dma_start3A_802 = arith.constant 0 : i32
      %dma_start3A_803 = tpu.memref_slice %arg4[%arg0, %mul3A_800, %dma_start3A_802] : memref<2x256x128xf32, #tpu.memory_space<hbm>> -> memref<1x16x128xf32, #tpu.memory_space<hbm>>
      %dma_start3A_804 = tpu.memref_squeeze %dma_start3A_803 : memref<1x16x128xf32, #tpu.memory_space<hbm>> -> memref<16x128xf32, #tpu.memory_space<hbm>>
      %dma_start3A_805 = arith.constant 0 : i32
      %dma_start3A_806 = tpu.memref_slice %arg9[%mul3A_798, %dma_start3A_805] : memref<256x128xf32, #tpu.memory_space<vmem_shared>> -> memref<16x128xf32, #tpu.memory_space<vmem_shared>>
      tpu.enqueue_dma source(%dma_start3A_806 : memref<16x128xf32, #tpu.memory_space<vmem_shared>>) target(%dma_start3A_804 : memref<16x128xf32, #tpu.memory_space<hbm>>) target_semaphore(%run_scoped3A_801 : memref<!tpu.dma_semaphore, #tpu.memory_space<semaphore_mem>>)
      %dma_wait3A_807 = arith.constant 0 : i32
      %dma_wait3A_808 = tpu.memref_slice %arg4[%arg0, %mul3A_800, %dma_wait3A_807] : memref<2x256x128xf32, #tpu.memory_space<hbm>> -> memref<1x16x128xf32, #tpu.memory_space<hbm>>
      %dma_wait3A_809 = tpu.memref_squeeze %dma_wait3A_808 : memref<1x16x128xf32, #tpu.memory_space<hbm>> -> memref<16x128xf32, #tpu.memory_space<hbm>>
      %dma_wait3A_810 = arith.constant 0 : i32
      %dma_wait3A_811 = tpu.memref_slice %arg9[%mul3A_798, %dma_wait3A_810] : memref<256x128xf32, #tpu.memory_space<vmem_shared>> -> memref<16x128xf32, #tpu.memory_space<vmem_shared>>
      tpu.wait_dma2 semaphore(%run_scoped3A_801 : memref<!tpu.dma_semaphore, #tpu.memory_space<semaphore_mem>>) src(%dma_wait3A_811 : memref<16x128xf32, #tpu.memory_space<vmem_shared>>) dst(%dma_wait3A_809 : memref<16x128xf32, #tpu.memory_space<hbm>>)
      tpu.yield
    }) : () -> ()
    return
  }
}

module attributes {stable_mosaic.version = 14 : i64} {
  func.func @_tc_body(%arg0: i32, %arg1: memref<1x1x1000xi32, #tpu.memory_space<vmem>>, %arg2: memref<1000x128xf32, #tpu.memory_space<vmem>>, %arg3: memref<256x128xf32, #tpu.memory_space<vmem>>) attributes {dimension_semantics = [#tpu.dimension_semantics<arbitrary>], iteration_bounds = array<i64: 32>, scalar_prefetch = 0 : i64, scratch_operands = 0 : i64, tpu.core_type = #tpu.core_type<tc>, window_params = [{transform_indices = @transform_0, window_bounds = array<i64: 1, 1, 1000>}, {transform_indices = @transform_1, window_bounds = array<i64: 1000, 128>}, {pipeline_mode = #tpu.pipeline_mode<synchronous>, transform_indices = @transform_2, window_bounds = array<i64: 256, 128>}]} {
    %get3A = arith.constant 0 : index
    %get3A_0 = arith.constant 0 : index
    %get3A_1 = vector.load %arg2[%get3A, %get3A_0] : memref<1000x128xf32, #tpu.memory_space<vmem>>, vector<1000x128xf32>
    %get3A_2 = arith.constant 0 : index
    %get3A_3 = arith.constant 0 : index
    %get3A_4 = arith.constant 0 : index
    %get3A_5 = vector.load %arg1[%get3A_2, %get3A_3, %get3A_4] : memref<1x1x1000xi32, #tpu.memory_space<vmem>>, vector<1x1x1000xi32>
    %get3A_6 = vector.shape_cast %get3A_5 : vector<1x1x1000xi32> to vector<1000xi32>
    %iota3A = tpu.iota {dimensions = array<i32: 1>} : vector<1000x256xi32>
    %broadcast_in_dim3A = vector.shape_cast %get3A_6 : vector<1000xi32> to vector<1000x1xi32>
    %eq3A = vector.broadcast %broadcast_in_dim3A : vector<1000x1xi32> to vector<1000x256xi32>
    %eq3A_7 = arith.cmpi eq, %iota3A, %eq3A : vector<1000x256xi32>
    %convert_element_type3A = arith.extui %eq3A_7 : vector<1000x256xi1> to vector<1000x256xi32>
    %convert_element_type3A_8 = arith.sitofp %convert_element_type3A : vector<1000x256xi32> to vector<1000x256xf32>
    %dot_general3A = arith.constant dense<0.000000e+00> : vector<256x128xf32>
    %dot_general3A_9 = tpu.matmul %convert_element_type3A_8, %get3A_1, %dot_general3A {dimension_numbers = #tpu.dot_dimension_numbers<[0], [0], [1], [1], [0, 1, 1, 1], [], []>, transpose_lhs_hint = false} : vector<1000x256xf32>, vector<1000x128xf32>, vector<256x128xf32> -> vector<256x128xf32>
    %eq3A_10 = arith.constant 0 : i32
    %eq3A_11 = arith.cmpi eq, %arg0, %eq3A_10 : i32
    %convert_element_type3A_12 = arith.extui %eq3A_11 : i1 to i32
    %cond3A = arith.constant 0 : i32
    %cond3A_13 = arith.cmpi ne, %convert_element_type3A_12, %cond3A : i32
    scf.if %cond3A_13 {
      %swap3A = arith.constant 0 : index
      %swap3A_18 = arith.constant 0 : index
      %swap3A_19 = vector.load %arg3[%swap3A, %swap3A_18] : memref<256x128xf32, #tpu.memory_space<vmem>>, vector<256x128xf32>
      tpu.vector_store %arg3[%swap3A, %swap3A_18], %dot_general3A_9 {strides = array<i32>} : memref<256x128xf32, #tpu.memory_space<vmem>>, vector<256x128xf32>,
    } else {
    }
    %gt3A = arith.constant 0 : i32
    %gt3A_14 = arith.cmpi sgt, %arg0, %gt3A : i32
    %convert_element_type3A_15 = arith.extui %gt3A_14 : i1 to i32
    %cond3A_16 = arith.constant 0 : i32
    %cond3A_17 = arith.cmpi ne, %convert_element_type3A_15, %cond3A_16 : i32
    scf.if %cond3A_17 {
      %get3A_18 = arith.constant 0 : index
      %get3A_19 = arith.constant 0 : index
      %get3A_20 = vector.load %arg3[%get3A_18, %get3A_19] : memref<256x128xf32, #tpu.memory_space<vmem>>, vector<256x128xf32>
      %add3A = arith.addf %get3A_20, %dot_general3A_9 : vector<256x128xf32>
      %swap3A = arith.constant 0 : index
      %swap3A_21 = arith.constant 0 : index
      %swap3A_22 = vector.load %arg3[%swap3A, %swap3A_21] : memref<256x128xf32, #tpu.memory_space<vmem>>, vector<256x128xf32>
      tpu.vector_store %arg3[%swap3A, %swap3A_21], %add3A {strides = array<i32>} : memref<256x128xf32, #tpu.memory_space<vmem>>, vector<256x128xf32>,
    } else {
    }
    return
  }
  func.func @transform_0(%arg0: i32) -> (i32, i32, i32) {
    %add3A = arith.constant 68 : i32
    %add3A_0 = arith.addi %add3A, %arg0 : i32
    %c0_i32 = arith.constant 0 : i32
    %c0_i32_1 = arith.constant 0 : i32
    %c0_i32_2 = arith.constant 0 : i32
    return %add3A_0, %c0_i32, %c0_i32_1 : i32, i32, i32
  }
  func.func @transform_1(%arg0: i32) -> (i32, i32) {
    %add3A = arith.constant 68 : i32
    %add3A_0 = arith.addi %add3A, %arg0 : i32
    %c0_i32 = arith.constant 0 : i32
    %c0_i32_1 = arith.constant 0 : i32
    return %add3A_0, %c0_i32 : i32, i32
  }
  func.func @transform_2(%arg0: i32) -> (i32, i32) {
    %c0_i32 = arith.constant 0 : i32
    %c0_i32_0 = arith.constant 0 : i32
    %c0_i32_1 = arith.constant 0 : i32
    return %c0_i32, %c0_i32_0 : i32, i32
  }
}

module attributes {stable_mosaic.version = 14 : i64} {
  func.func @_combine_body(%arg0: memref<2x256x128xf32, #tpu.memory_space<vmem>>, %arg1: memref<256x128xf32, #tpu.memory_space<vmem>>, %arg2: memref<256x128xf32, #tpu.memory_space<vmem>>) attributes {dimension_semantics = [], scalar_prefetch = 0 : i64, scratch_operands = 0 : i64, tpu.core_type = #tpu.core_type<tc>} {
    %get3A = arith.constant 0 : index
    %get3A_0 = arith.constant 0 : index
    %get3A_1 = arith.constant 0 : index
    %get3A_2 = vector.load %arg0[%get3A, %get3A_0, %get3A_1] : memref<2x256x128xf32, #tpu.memory_space<vmem>>, vector<1x256x128xf32>
    %get3A_3 = vector.shape_cast %get3A_2 : vector<1x256x128xf32> to vector<256x128xf32>
    %get3A_4 = arith.constant 1 : index
    %get3A_5 = arith.constant 0 : index
    %get3A_6 = arith.constant 0 : index
    %get3A_7 = vector.load %arg0[%get3A_4, %get3A_5, %get3A_6] : memref<2x256x128xf32, #tpu.memory_space<vmem>>, vector<1x256x128xf32>
    %get3A_8 = vector.shape_cast %get3A_7 : vector<1x256x128xf32> to vector<256x128xf32>
    %add3A = arith.addf %get3A_3, %get3A_8 : vector<256x128xf32>
    %get3A_9 = arith.constant 0 : index
    %get3A_10 = arith.constant 0 : index
    %get3A_11 = vector.load %arg1[%get3A_9, %get3A_10] : memref<256x128xf32, #tpu.memory_space<vmem>>, vector<256x128xf32>
    %add3A_12 = arith.addf %add3A, %get3A_11 : vector<256x128xf32>
    %swap3A = arith.constant 0 : index
    %swap3A_13 = arith.constant 0 : index
    %swap3A_14 = vector.load %arg2[%swap3A, %swap3A_13] : memref<256x128xf32, #tpu.memory_space<vmem>>, vector<256x128xf32>
    tpu.vector_store %arg2[%swap3A, %swap3A_13], %add3A_12 {strides = array<i32>} : memref<256x128xf32, #tpu.memory_space<vmem>>, vector<256x128xf32>,
    return
  }
}

</mosaic_0001>

<sc_bundles>
// kernel: kernel.5.cloned.1.call-start
scs
__scs_entry_jumppad:
0x0: {  	(pc) =	sbr.rel $0x88, $3  }
0x1: {  	(tag) =	ssettag $0x0;
	lr =	simm.s32 $0x1  }
0x2: {  	[smem:$0x3F9F] =	sst lr;
	_ =	strace $0xD0000000  }
0x3: {  	_ = 	snop  }
0x4: {  	_ = 	snop  }
0x5: {  	_ = 	snop  }
0x6: {  	_ = 	snop  }
0x7: {  	_ = 	snop  }
__scs_overlays_trampoline_lowered:
0x8: {  	[smem:$0x3FAE] =	sst s0  }
0x9: {  	[smem:$0x3FAF] =	sst s1  }
0xa: {  	[smem:$0x3FB0] =	sst s2  }
0xb: {  	[smem:$0x3FB1] =	sst s3  }
0xc: {  	[smem:$0x3FB2] =	sst s4  }
0xd: {  	[smem:$0x3FB3] =	sst s5  }
0xe: {  	[smem:$0x3FB4] =	sst s6  }
0xf: {  	[smem:$0x3FB5] =	sst s7  }
0x10: {  	[smem:$0x3FB6] =	sst s8  }
0x11: {  	[smem:$0x3FB7] =	sst s9;
	s0 =	simm.s32 @!p0 $0x0  }
0x12: {  	s1 =	sld [smem:$0x3F9D];
	s0 =	simm.s32 @p0 $0x1  }
0x13: {  	[smem:$0x3FB8] =	sst s0;
	s0 =	simm.s32 @!p1 $0x0  }
0x14: {  	s2 =	sld [smem:$0x3F9C];
	s0 =	simm.s32 @p1 $0x1  }
0x15: {  	[smem:$0x3FB9] =	sst s0;
	s0 =	simm.s32 @!p2 $0x0  }
0x16: {  	s3 =	sld [smem:$0x3FDB];
	s0 =	simm.s32 @p2 $0x1  }
0x17: {  	s4 =	simm.s32 $0x1BF5;
	[smem:$0x3FBB] =	sst s0  }
0x18: {  	s0 =	sld [smem:$0x3F9E];
	_ =	swait.ge [sflag:s4], $0x0  }
0x19: {  	s7 =	sld [smem:$0x3F9F]  }
0x1a: {  	s8 =	sadd.s32 $0xFFFFE003, lr  }
0x1b: {  	s9 =	sadd.s32 $0xFFFFFEF7, lr;
	s5 =	simm.s32 $0xFFFFFFFF;
	p2 =	slt.u32 s8, $0xFFFFF086  }
0x1c: {  	p1 =	slt.u32 s9, $0xF7A;
	s5 =	simm.s32 @!p2 $0x0  }
0x1d: {  	s5 =	simm.s32 @p1 $0x1;
	p0 =	seq.s32 s7, s2  }
0x1e: {  	s7 =	smul.u32 @!p0 $0xF7A, s2;
	p2 =	seq.s32 @!p0 s5, $0x0  }
0x1f: {  	s9 =	smul.u32 $0xF7A, s1;
	s8 =	simm.s32 @!p0 $0x1BF5;
	p2 =	por !p2, p0  }
0x20: {  	[sflag:s8] =	ssyncset.s32 @!p0 $0xFFFFF086;
	s6 =	sadd.s32 @!p0 s3, s7;
	s7 =	simm.s32 @!p0 $0x108  }
0x21: {  	s3 =	sadd.s32 s3, s9;
	s6 =	sadd.s32 @!p0 $0x88, s6;
	s7 =	simm.s32 @p2 $0x1082  }
0x22: {  	[simem:s7], [sflag:s8] =	dma.local @!p0 [hbm:s6], $0xF7A  }
0x23: {  	s9 =	sor.u32 $0xD0000000, s2;
	s6 =	simm.s32 $0x108;
	_ =	swait.ge @!p0 [sflag:s8], $0x0  }
0x24: {  	s3 =	sadd.s32 $0x88, s3;
	s6 =	simm.s32 @!p1 $0x1082;
	[sflag:s4] =	ssyncset.s32 $0xFFFFF086  }
0x25: {  	[simem:s6], [sflag:s4] =	dma.local [hbm:s3], $0xF7A  }
0x26: {  	[smem:$0x3F9F] =	sst s1;
	(tag) =	ssettag s2;
	_ =	strace s9  }
0x27: {  	s1 =	sld [smem:$0x3FAF]  }
0x28: {  	s2 =	sld [smem:$0x3FB0]  }
0x29: {  	s4 =	sld [smem:$0x3FB2]  }
0x2a: {  	p0 =	seq.s32 s5, $0x0;
	s5 =	sld [smem:$0x3FB3]  }
0x2b: {  	s6 =	sld [smem:$0x3FB4]  }
0x2c: {  	s7 =	sld [smem:$0x3FB5]  }
0x2d: {  	s3 =	simm.s32 $0x108;
	s8 =	sld [smem:$0x3FB6]  }
0x2e: {  	s3 =	simm.s32 @!p0 $0x1082;
	s9 =	sld [smem:$0x3FB7]  }
0x2f: {  	lr =	sadd.s32 s0, s3;
	s0 =	sld [smem:$0x3FAE]  }
0x30: {  	s3 =	sld [smem:$0x3FB1]  }
0x31: {  	[smem:$0x3FBA] =	sst s10  }
0x32: {  	s10 =	sld [smem:$0x3FB8];
	_ =	sdelay $0x3  }
0x33: {  	p0 =	seq.s32 s10, $0x1;
	s10 =	sld [smem:$0x3FBA];
	_ =	sdelay $0x3  }
0x34: {  	[smem:$0x3FBA] =	sst s10  }
0x35: {  	s10 =	sld [smem:$0x3FB9];
	_ =	sdelay $0x3  }
0x36: {  	p1 =	seq.s32 s10, $0x1;
	s10 =	sld [smem:$0x3FBA];
	_ =	sdelay $0x3  }
0x37: {  	[smem:$0x3FBA] =	sst s10  }
0x38: {  	s10 =	sld [smem:$0x3FBB]  }
0x39: {  	_ = 	snop;
	(pc) =	sbr.ind lr, $3  }
0x3a: {  	_ = 	snop  }
0x3b: {  	_ = 	snop  }
0x3c: {  	p2 =	seq.s32 s10, $0x1;
	s10 =	sld [smem:$0x3FBA]  }
0x3d: {  	_ =	shalt  }
0x3e: {  	_ =	shalt  }
0x3f: {  	_ =	shalt  }
0x40: {  	_ =	shalt  }
0x41: {  	_ =	shalt  }
0x42: {  	_ =	shalt  }
0x43: {  	_ =	shalt  }
0x44: {  	_ =	shalt  }
0x45: {  	_ =	shalt  }
0x46: {  	_ =	shalt  }
0x47: {  	_ =	shalt  }
0x48: {  	_ =	shalt  }
0x49: {  	_ =	shalt  }
0x4a: {  	_ =	shalt  }
0x4b: {  	_ =	shalt  }
0x4c: {  	_ =	shalt  }
0x4d: {  	_ =	shalt  }
0x4e: {  	_ =	shalt  }
0x4f: {  	_ =	shalt  }
0x50: {  	_ =	shalt  }
0x51: {  	_ =	shalt  }
0x52: {  	_ =	shalt  }
0x53: {  	_ =	shalt  }
0x54: {  	_ =	shalt  }
0x55: {  	_ =	shalt  }
0x56: {  	_ =	shalt  }
0x57: {  	_ =	shalt  }
0x58: {  	_ =	shalt  }
0x59: {  	_ =	shalt  }
0x5a: {  	_ =	shalt  }
0x5b: {  	_ =	shalt  }
0x5c: {  	_ =	shalt  }
0x5d: {  	_ =	shalt  }
0x5e: {  	_ =	shalt  }
0x5f: {  	_ =	shalt  }
0x60: {  	_ =	shalt  }
0x61: {  	_ =	shalt  }
0x62: {  	_ =	shalt  }
0x63: {  	_ =	shalt  }
0x64: {  	_ =	shalt  }
0x65: {  	_ =	shalt  }
0x66: {  	_ =	shalt  }
0x67: {  	_ =	shalt  }
0x68: {  	_ =	shalt  }
0x69: {  	_ =	shalt  }
0x6a: {  	_ =	shalt  }
0x6b: {  	_ =	shalt  }
0x6c: {  	_ =	shalt  }
0x6d: {  	_ =	shalt  }
0x6e: {  	_ =	shalt  }
0x6f: {  	_ =	shalt  }
0x70: {  	_ =	shalt  }
0x71: {  	_ =	shalt  }
0x72: {  	_ =	shalt  }
0x73: {  	_ =	shalt  }
0x74: {  	_ =	shalt  }
0x75: {  	_ =	shalt  }
0x76: {  	_ =	shalt  }
0x77: {  	_ =	shalt  }
0x78: {  	_ =	shalt  }
0x79: {  	_ =	shalt  }
0x7a: {  	_ =	shalt  }
0x7b: {  	_ =	shalt  }
0x7c: {  	_ =	shalt  }
0x7d: {  	_ =	shalt  }
0x7e: {  	_ =	shalt  }
0x7f: {  	_ =	shalt  }
0x80: {  	_ =	shalt  }
0x81: {  	_ =	shalt  }
0x82: {  	_ =	shalt  }
0x83: {  	_ =	shalt  }
0x84: {  	_ =	shalt  }
0x85: {  	_ =	shalt  }
0x86: {  	_ =	shalt  }
0x87: {  	_ =	shalt  }
.Lfunc_end0:
.L_simem_size_0:
called_computation_lowered:
.L_overlay_start_0:
0x88: {  	s2 =	sld [smem:$0x3FD9]  }
0x89: {  	s3 =	sld [smem:$0x3FFE];
	_ =	sdelay $0x1  }
0x8a: {  	s1 =	srdreg.scid  }
0x8b: {  	s0 =	sand.u32 $0x1, s1  }
0x8c: {  	s17 =	sshll.u32 s0, $0xA;
	s2 =	sadd.s32 s3, s2  }
0x8d: {  	s2 =	sadd.s32 s2, s17  }
0x8e: {  	[smem:$0x3FC6] =	sst s2  }
0x8f: {  	_ = 	snop  }
0x90: {  	s2 =	sld [smem:$0x3FC9];
	(tm) =	ssettm $0x1  }
0x91: {  	s18 =	sld [smem:$0x3FFB];
	_ =	sdelay $0x3  }
0x92: {  	_ =	strace s18  }
0x93: {  	s3 =	sld [smem:$0x3FFC];
	_ =	sdelay $0x3  }
0x94: {  	_ =	strace s3  }
0x95: {  	s3 =	sld [smem:$0x3FFD];
	_ =	sdelay $0x3  }
0x96: {  	_ =	strace s3  }
0x97: {  	_ =	strace $0x8FFFFFFF  }
0x98: {  	s19 =	sld [smem:$0x3FDB];
	_ =	sdelay $0x1  }
0x99: {  	s4 =	simm.s32 $_scs_section_size  }
0x9a: {  	s5 =	simm.s32 $_size__tile_overlayer_lowered;
	s6 =	simm.s32 $_tile_overlayer_lowered  }
0x9b: {  	s22 =	simm.s32 $0x1BFF;
	s21 =	sshll.u32 s6, $0x1;
	s3 =	sadd.s32 s4, s19  }
0x9c: {  	s7 =	simm.s32 $0x0;
	s20 =	sshll.u32 s5, $0x1;
	s5 =	sadd.s32 s21, s3  }
0x9d: {  	[timem:s7], [sflag:s22] =	dma.local [hbm:s5], s20  }
0x9e: {  	_ =	swait.ge [sflag:s22], s20  }
0x9f: {  	s4 =	ssub.s32 $0x0, s20;
	[sflag:s22] =	ssyncset.done $0x0  }
0xa0: {  	[sflag:s22] =	ssyncadd.s32 s4;
	_ =	sdelay $0x1  }
0xa1: {  	s23 =	simm.s32 $0x1B8B  }
0xa2: {  	_ =	swait.ge [sflag:s23], $0x1  }
0xa3: {  	[sflag:s23] =	ssyncset.done $0x0  }
0xa4: {  	s25 =	simm.s32 $0x1B8E;
	s24 =	sld [smem:$0x3FFE];
	[sflag:s23] =	ssyncadd.s32 $0xFFFFFFFF  }
0xa5: {  	s26 =	simm.s32 $execute0_lowered;
	[smem:$0x3FD2] =	sst s25  }
0xa6: {  	s5 =	sshll.u32 s26, $0x1;
	_ =	strace $0x80000046;
	[dreg:$0x1] =	wrdreg $0xFFFFFFFF  }
0xa7: {  	s28 =	simm.s32 $_size_execute0_lowered;
	s3 =	sadd.s32 s3, s5;
	[dreg:$0x0] =	wrdreg $0x0  }
0xa8: {  	s5 =	sshll.u32 s28, $0x1;
	[dreg:$0x2] =	wrdreg s3  }
0xa9: {  	[dreg:$0x3] =	wrdreg s5  }
0xaa: {  	[dreg:$0x4] =	wrdreg $0xC0  }
0xab: {  	_ =	task [dreg:s7], $0x5FFFF  }
0xac: {  	[dreg:$0x1] =	wrdreg $0xFFFFFFFF  }
0xad: {  	[dreg:$0x0] =	wrdreg $0x60  }
0xae: {  	[dreg:$0x2] =	wrdreg s2  }
0xaf: {  	[dreg:$0x3] =	wrdreg s24  }
0xb0: {  	[dreg:$0x4] =	wrdreg $0x8D800  }
0xb1: {  	[dreg:$0x5] =	wrdreg $0x9  }
0xb2: {  	_ =	task.clear_ibuf [dreg:s7], $0x6FFFF;
	_ =	strace $0x90000046  }
0xb3: {  	s29 =	simm.s32 $0x9;
	_ =	strace $0x80000048  }
0xb4: {  	_ =	swait.ge [sflag:s29], $0x1  }
0xb5: {  	[sflag:s29] =	ssyncadd.s32 $0xFFFFFFFF  }
0xb6: {  	_ =	strace $0x90000048  }
0xb7: {  	_ =	sfence  }
0xb8: {  	s30 =	sld [smem:$0x0];
	_ =	sdelay $0x2  }
0xb9: {  	s31 =	sshll.u32 s1, $0xD;
	s1 =	sshrl.u32 s1, $0x2  }
0xba: {  	s3 =	sand.u32 $0x4000, s31;
	s1 =	sadd.s32 s1, s30  }
0xbb: {  	s0 =	sor.u32 s3, s0;
	s1 =	sshll.u32 s1, $0x11  }
0xbc: {  	s0 =	sor.u32 s1, s0  }
0xbd: {  	s0 =	sadd.s32 $0x8F2B, s0  }
0xbe: {  	[sflag:s0] =	ssyncadd.remote.s32 $0x1  }
0xbf: {  	_ =	sfence.sel $0xFFFF  }
0xc0: {  	[dreg:$0x0] =	wrdreg $0xFFFFFFFF;
	(pc) =	sbr.abs _section_cstart, $3  }
0xc1: {  	[dreg:$0x1] =	wrdreg $0xFFFFFFFF  }
0xc2: {  	_ =	task.clear_ibuf [dreg:s7], $0x2FFFF;
	_ =	strace $0x9FFFFFFF  }
0xc3: {  	(tm) =	ssettm $0x7FFFFFFF  }
tec
execute0_lowered:
.L_overlay_start_1:
0x0: {  	(tag) =	ssettag $0x1  }
0x1: {  	s11 =	rddreg [dreg:$0x0]  }
0x2: {  	s4 =	rddreg [dreg:$0x1]  }
0x3: {  	s1 =	rddreg [dreg:$0x2]  }
0x4: {  	s2 =	srdreg.scid;
	s0 =	rddreg [dreg:$0x3]  }
0x5: {  	s3 =	simm.s32 $0x0;
	s15 =	simm.s32 $0x8580;
	s16 =	simm.s32 $0x5  }
0x6: {  	s17 =	simm.s32 $0x1;
	s18 =	simm.s32 $0x7D;
	s19 =	simm.s32 $0x2  }
0x7: {  	s20 =	simm.s32 $0x3;
	s21 =	simm.s32 $0x4;
	s22 =	simm.s32 $0x700  }
0x8: {  	s23 =	simm.s32 $0x780;
	s24 =	simm.s32 $0x800;
	s25 =	simm.s32 $0x0  }
0x9: {  	s5 =	sand.u32 $0x1, s2;
	s2 =	stileid.u32;
	[smem:$0x7FF] =	sst s3  }
0xa: {  	s6 =	sshll.u32 s5, $0x4;
	s8 =	sshll.u32 s2, $0xB;
	s12 =	smul.u32 $0x84D0, s5  }
0xb: {  	s9 =	sshll.u32 s5, $0xF;
	s13 =	smul.u32 $0x84D, s2;
	s6 =	sor.u32 s2, s6  }
0xc: {  	_ =	strace $0x80000047;
	s28 =	ssub.s32 $0x2, s5;
	s7 =	smul.u32 $0x110, s6  }
0xd: {  	s9 =	sor.u32 s8, s9;
	s29 =	sshrl.u32 s28, $0x1;
	s10 =	smul.u32 $0x84D0, s6  }
0xe: {  	s9 =	sshrl.u32 s9, $0x3;
	s6 =	smul.u32 $0x42680, s6;
	s14 =	ssub.s32 s28, s29  }
0xf: {  	s31 =	sadd.s32 s13, s12;
	s13 =	simm.s32 $0x880;
	s9 =	sadd.s32 s9, s4  }
0x10: {  	s12 =	sshll.u32 s31, $0x4;
	s7 =	sadd.s32 s7, s4;
	s6 =	sshrl.u32 s6, $0x3  }
0x11: {  	s4 =	sadd.s32 s11, s10;
	s12 =	sadd.s32 s12, s11;
	s30 =	sadd.s32 s11, s6  }
0x12: {  	s6 =	sadd.s32 s8, s1;
	s7 =	sadd.s32 $0x800, s7;
	s8 =	sadd.s32 $0x2A00, s9  }
0x13: {  	s9 =	smax.u32 s14, $0x1;
	s10 =	sadd.s32 $0x7D00, s4;
	s11 =	sadd.s32 $0x1770, s12  }
0x14: {  	v0 =	vimm.f32 $0.0e+00;
	s12 =	sadd.s32 $0xFA0, s12;
	s14 =	simm.s32 $0x4700;
	s5 =	sadd.s32 $0x7D0, s30  }
.LBB2_1:
0x15: {  	[tilespmem:s13], [sflag:$0x1] =	stream.linear.gather [hbm4b:s4+s3], $0x3E80, $0x38;
	[tilespmem:$0x9580] =	vst v63  }
0x16: {  	_ = 	snop  }
0x17: {  	[tilespmem:s14], [sflag:$0x2] =	stream.linear.gather [hbm4b:s5+s3], $0x3E80, $0x38;
	[tilespmem:$0x9580] =	vst v63  }
0x18: {  	[tilespmem:$0x8580] =	vst v0  }
0x19: {  	[tilespmem:$0x8590] =	vst v0  }
0x1a: {  	[tilespmem:$0x85A0] =	vst v0  }
0x1b: {  	[tilespmem:$0x85B0] =	vst v0  }
0x1c: {  	[tilespmem:$0x85C0] =	vst v0  }
0x1d: {  	[tilespmem:$0x85D0] =	vst v0  }
0x1e: {  	[tilespmem:$0x85E0] =	vst v0  }
0x1f: {  	[tilespmem:$0x85F0] =	vst v0  }
0x20: {  	[tilespmem:$0x8600] =	vst v0  }
0x21: {  	[tilespmem:$0x8610] =	vst v0  }
0x22: {  	[tilespmem:$0x8620] =	vst v0  }
0x23: {  	[tilespmem:$0x8630] =	vst v0  }
0x24: {  	[tilespmem:$0x8640] =	vst v0  }
0x25: {  	[tilespmem:$0x8650] =	vst v0  }
0x26: {  	[tilespmem:$0x8660] =	vst v0  }
0x27: {  	[tilespmem:$0x8670] =	vst v0  }
0x28: {  	[tilespmem:$0x8680] =	vst v0  }
0x29: {  	[tilespmem:$0x8690] =	vst v0  }
0x2a: {  	[tilespmem:$0x86A0] =	vst v0  }
0x2b: {  	[tilespmem:$0x86B0] =	vst v0  }
0x2c: {  	[tilespmem:$0x86C0] =	vst v0  }
0x2d: {  	[tilespmem:$0x86D0] =	vst v0  }
0x2e: {  	[tilespmem:$0x86E0] =	vst v0  }
0x2f: {  	[tilespmem:$0x86F0] =	vst v0  }
0x30: {  	[tilespmem:$0x8700] =	vst v0  }
0x31: {  	[tilespmem:$0x8710] =	vst v0  }
0x32: {  	[tilespmem:$0x8720] =	vst v0  }
0x33: {  	[tilespmem:$0x8730] =	vst v0  }
0x34: {  	[tilespmem:$0x8740] =	vst v0  }
0x35: {  	[tilespmem:$0x8750] =	vst v0  }
0x36: {  	[tilespmem:$0x8760] =	vst v0  }
0x37: {  	[tilespmem:$0x8770] =	vst v0  }
0x38: {  	[tilespmem:$0x8780] =	vst v0  }
0x39: {  	[tilespmem:$0x8790] =	vst v0  }
0x3a: {  	[tilespmem:$0x87A0] =	vst v0  }
0x3b: {  	[tilespmem:$0x87B0] =	vst v0  }
0x3c: {  	[tilespmem:$0x87C0] =	vst v0  }
0x3d: {  	[tilespmem:$0x87D0] =	vst v0  }
0x3e: {  	[tilespmem:$0x87E0] =	vst v0  }
0x3f: {  	[tilespmem:$0x87F0] =	vst v0  }
0x40: {  	[tilespmem:$0x8800] =	vst v0  }
0x41: {  	[tilespmem:$0x8810] =	vst v0  }
0x42: {  	[tilespmem:$0x8820] =	vst v0  }
0x43: {  	[tilespmem:$0x8830] =	vst v0  }
0x44: {  	[tilespmem:$0x8840] =	vst v0  }
0x45: {  	[tilespmem:$0x8850] =	vst v0  }
0x46: {  	[tilespmem:$0x8860] =	vst v0  }
0x47: {  	[tilespmem:$0x8870] =	vst v0  }
0x48: {  	[tilespmem:$0x8880] =	vst v0  }
0x49: {  	[tilespmem:$0x8890] =	vst v0  }
0x4a: {  	[tilespmem:$0x88A0] =	vst v0  }
0x4b: {  	[tilespmem:$0x88B0] =	vst v0  }
0x4c: {  	[tilespmem:$0x88C0] =	vst v0  }
0x4d: {  	[tilespmem:$0x88D0] =	vst v0  }
0x4e: {  	[tilespmem:$0x88E0] =	vst v0  }
0x4f: {  	[tilespmem:$0x88F0] =	vst v0  }
0x50: {  	[tilespmem:$0x8900] =	vst v0  }
0x51: {  	[tilespmem:$0x8910] =	vst v0  }
0x52: {  	[tilespmem:$0x8920] =	vst v0  }
0x53: {  	[tilespmem:$0x8930] =	vst v0  }
0x54: {  	[tilespmem:$0x8940] =	vst v0  }
0x55: {  	[tilespmem:$0x8950] =	vst v0  }
0x56: {  	[tilespmem:$0x8960] =	vst v0  }
0x57: {  	[tilespmem:$0x8970] =	vst v0  }
0x58: {  	[tilespmem:$0x8980] =	vst v0  }
0x59: {  	[tilespmem:$0x8990] =	vst v0  }
0x5a: {  	[tilespmem:$0x89A0] =	vst v0  }
0x5b: {  	[tilespmem:$0x89B0] =	vst v0  }
0x5c: {  	[tilespmem:$0x89C0] =	vst v0  }
0x5d: {  	[tilespmem:$0x89D0] =	vst v0  }
0x5e: {  	[tilespmem:$0x89E0] =	vst v0  }
0x5f: {  	[tilespmem:$0x89F0] =	vst v0  }
0x60: {  	[tilespmem:$0x8A00] =	vst v0  }
0x61: {  	[tilespmem:$0x8A10] =	vst v0  }
0x62: {  	[tilespmem:$0x8A20] =	vst v0  }
0x63: {  	[tilespmem:$0x8A30] =	vst v0  }
0x64: {  	[tilespmem:$0x8A40] =	vst v0  }
0x65: {  	[tilespmem:$0x8A50] =	vst v0  }
0x66: {  	[tilespmem:$0x8A60] =	vst v0  }
0x67: {  	[tilespmem:$0x8A70] =	vst v0  }
0x68: {  	[tilespmem:$0x8A80] =	vst v0  }
0x69: {  	[tilespmem:$0x8A90] =	vst v0  }
0x6a: {  	[tilespmem:$0x8AA0] =	vst v0  }
0x6b: {  	[tilespmem:$0x8AB0] =	vst v0  }
0x6c: {  	[tilespmem:$0x8AC0] =	vst v0  }
0x6d: {  	[tilespmem:$0x8AD0] =	vst v0  }
0x6e: {  	[tilespmem:$0x8AE0] =	vst v0  }
0x6f: {  	[tilespmem:$0x8AF0] =	vst v0  }
0x70: {  	[tilespmem:$0x8B00] =	vst v0  }
0x71: {  	[tilespmem:$0x8B10] =	vst v0  }
0x72: {  	[tilespmem:$0x8B20] =	vst v0  }
0x73: {  	[tilespmem:$0x8B30] =	vst v0  }
0x74: {  	[tilespmem:$0x8B40] =	vst v0  }
0x75: {  	[tilespmem:$0x8B50] =	vst v0  }
0x76: {  	[tilespmem:$0x8B60] =	vst v0  }
0x77: {  	[tilespmem:$0x8B70] =	vst v0  }
0x78: {  	[tilespmem:$0x8B80] =	vst v0  }
0x79: {  	[tilespmem:$0x8B90] =	vst v0  }
0x7a: {  	[tilespmem:$0x8BA0] =	vst v0  }
0x7b: {  	[tilespmem:$0x8BB0] =	vst v0  }
0x7c: {  	[tilespmem:$0x8BC0] =	vst v0  }
0x7d: {  	[tilespmem:$0x8BD0] =	vst v0  }
0x7e: {  	[tilespmem:$0x8BE0] =	vst v0  }
0x7f: {  	[tilespmem:$0x8BF0] =	vst v0  }
0x80: {  	[tilespmem:$0x8C00] =	vst v0  }
0x81: {  	[tilespmem:$0x8C10] =	vst v0  }
0x82: {  	[tilespmem:$0x8C20] =	vst v0  }
0x83: {  	[tilespmem:$0x8C30] =	vst v0  }
0x84: {  	[tilespmem:$0x8C40] =	vst v0  }
0x85: {  	[tilespmem:$0x8C50] =	vst v0  }
0x86: {  	[tilespmem:$0x8C60] =	vst v0  }
0x87: {  	[tilespmem:$0x8C70] =	vst v0  }
0x88: {  	[tilespmem:$0x8C80] =	vst v0  }
0x89: {  	[tilespmem:$0x8C90] =	vst v0  }
0x8a: {  	[tilespmem:$0x8CA0] =	vst v0  }
0x8b: {  	[tilespmem:$0x8CB0] =	vst v0  }
0x8c: {  	[tilespmem:$0x8CC0] =	vst v0  }
0x8d: {  	[tilespmem:$0x8CD0] =	vst v0  }
0x8e: {  	[tilespmem:$0x8CE0] =	vst v0  }
0x8f: {  	[tilespmem:$0x8CF0] =	vst v0  }
0x90: {  	[tilespmem:$0x8D00] =	vst v0  }
0x91: {  	[tilespmem:$0x8D10] =	vst v0  }
0x92: {  	[tilespmem:$0x8D20] =	vst v0  }
0x93: {  	[tilespmem:$0x8D30] =	vst v0  }
0x94: {  	[tilespmem:$0x8D40] =	vst v0  }
0x95: {  	[tilespmem:$0x8D50] =	vst v0  }
0x96: {  	[tilespmem:$0x8D60] =	vst v0  }
0x97: {  	[tilespmem:$0x8D70] =	vst v0  }
0x98: {  	[spmem:s6] =	stream.linear.scatter [tilespmem:s15], [sflag:$0x5], $0x800, $0x38;
	[tilespmem:$0x9580] =	vst v63  }
0x99: {  	_ =	swait.ge [sflag:s16], $0x800  }
0x9a: {  	[sflag:s16] =	ssyncset.done $0x0  }
0x9b: {  	[sflag:s16] =	ssyncadd.s32 $0xFFFFF800  }
0x9c: {  	[bflag:$0x0] =	sbarrier.arrive $0xFFFF  }
0x9d: {  	[tilespmem:s3], [sflag:$0x5] =	stream.linear.gather [hbm4b:s7+s3], $0x880, $0x38;
	[tilespmem:$0x9580] =	vst v63  }
0x9e: {  	_ =	swait.ge [sflag:s16], $0x880  }
0x9f: {  	[sflag:s16] =	ssyncset.done $0x0  }
0xa0: {  	[sflag:s16] =	ssyncadd.s32 $0xFFFFF780  }
0xa1: {  	_ =	swait.ge [sflag:s17], $0x3E80  }
0xa2: {  	[sflag:s17] =	ssyncset.done $0x0  }
0xa3: {  	s26 =	simm.s32 $0x0;
	[sflag:s17] =	ssyncadd.s32 $0xFFFFC180  }
0xa4: {  	[spmem:s1] =	stream.indirect.scatter.add.f32 [tilespmem:s13], [sflag:$0x3], $0x80, s26, s18, $0xb8;
	[tilespmem:$0x9580] =	vst v63  }
0xa5: {  	_ =	swait.ge [sflag:s19], $0x3E80  }
0xa6: {  	[sflag:s19] =	ssyncset.done $0x0  }
0xa7: {  	s30 =	simm.s32 $0x80;
	[sflag:s19] =	ssyncadd.s32 $0xFFFFC180  }
0xa8: {  	[spmem:s1] =	stream.indirect.scatter.add.f32 [tilespmem:s14], [sflag:$0x4], $0x80, s30, s18, $0xb8;
	[tilespmem:$0x9580] =	vst v63  }
0xa9: {  	_ =	swait.ge [sflag:s20], $0x3E80  }
0xaa: {  	[sflag:s20] =	ssyncset.done $0x0  }
0xab: {  	s31 =	sadd.s32 $0x0, s12;
	[sflag:s20] =	ssyncadd.s32 $0xFFFFC180  }
0xac: {  	[tilespmem:s13], [sflag:$0x1] =	stream.linear.gather [hbm4b:s31+s3], $0x3E80, $0x38;
	[tilespmem:$0x9580] =	vst v63  }
0xad: {  	_ =	swait.ge [sflag:s21], $0x3E80  }
0xae: {  	s29 =	sadd.s32 $0x0, s11;
	[sflag:s21] =	ssyncset.done $0x0  }
0xaf: {  	s28 =	simm.s32 $0x180;
	s26 =	simm.s32 $0xFA0;
	[sflag:s21] =	ssyncadd.s32 $0xFFFFC180  }
.LBB2_2:
0xb0: {  	[tilespmem:s14], [sflag:$0x2] =	stream.linear.gather [hbm4b:s29+s3], $0x3E80, $0x38;
	[tilespmem:$0x9580] =	vst v63  }
0xb1: {  	s29 =	smov.u32 s26  }
0xb2: {  	p0 =	sne.s32 s26, $0x5DC0;
	s26 =	sadd.s32 $0xFA0, s26;
	_ =	swait.ge [sflag:s17], $0x3E80  }
0xb3: {  	[sflag:s17] =	ssyncset.done $0x0  }
0xb4: {  	s30 =	sadd.s32 $0xFFFFFF80, s28;
	[sflag:s17] =	ssyncadd.s32 $0xFFFFC180  }
0xb5: {  	[spmem:s1] =	stream.indirect.scatter.add.f32 [tilespmem:s13], [sflag:$0x3], $0x80, s30, s18, $0xb8;
	[tilespmem:$0x9580] =	vst v63  }
0xb6: {  	_ =	swait.ge [sflag:s19], $0x3E80  }
0xb7: {  	[sflag:s19] =	ssyncset.done $0x0  }
0xb8: {  	[sflag:s19] =	ssyncadd.s32 $0xFFFFC180  }
0xb9: {  	[spmem:s1] =	stream.indirect.scatter.add.f32 [tilespmem:s14], [sflag:$0x4], $0x80, s28, s18, $0xb8;
	[tilespmem:$0x9580] =	vst v63  }
0xba: {  	_ =	swait.ge [sflag:s20], $0x3E80  }
0xbb: {  	[sflag:s20] =	ssyncset.done $0x0  }
.Ltmp0:
0xbc: {  	s30 =	sadd.s32 s29, s12;
	[sflag:s20] =	ssyncadd.s32 $0xFFFFC180;
	(pc) =	sbr.rel @p0 .LBB2_2-.Ltmp0, $4  }
0xbd: {  	[tilespmem:s13], [sflag:$0x1] =	stream.linear.gather [hbm4b:s30+s3], $0x3E80, $0x38;
	[tilespmem:$0x9580] =	vst v63  }
0xbe: {  	_ =	swait.ge [sflag:s21], $0x3E80  }
0xbf: {  	[sflag:s21] =	ssyncset.done $0x0  }
0xc0: {  	s29 =	sadd.s32 s29, s11;
	s28 =	sadd.s32 $0x100, s28;
	[sflag:s21] =	ssyncadd.s32 $0xFFFFC180  }
0xc1: {  	[tilespmem:s14], [sflag:$0x2] =	stream.linear.gather [hbm4b:s29+s3], $0x3E80, $0x38;
	[tilespmem:$0x9580] =	vst v63  }
0xc2: {  	_ =	swait.ge [sflag:s17], $0x3E80  }
0xc3: {  	[sflag:s17] =	ssyncset.done $0x0  }
0xc4: {  	[sflag:s17] =	ssyncadd.s32 $0xFFFFC180  }
0xc5: {  	[spmem:s1] =	stream.indirect.scatter.add.f32 [tilespmem:s13], [sflag:$0x3], $0x80, s22, s18, $0xb8;
	[tilespmem:$0x9580] =	vst v63  }
0xc6: {  	_ =	swait.ge [sflag:s19], $0x3E80  }
0xc7: {  	[sflag:s19] =	ssyncset.done $0x0  }
0xc8: {  	[sflag:s19] =	ssyncadd.s32 $0xFFFFC180  }
0xc9: {  	[spmem:s1] =	stream.indirect.scatter.add.f32 [tilespmem:s14], [sflag:$0x4], $0x80, s23, s18, $0xb8;
	[tilespmem:$0x9580] =	vst v63  }
0xca: {  	_ =	swait.ge [sflag:s20], $0x3E80  }
0xcb: {  	[sflag:s20] =	ssyncset.done $0x0  }
0xcc: {  	[sflag:s20] =	ssyncadd.s32 $0xFFFFC180  }
0xcd: {  	[tilespmem:s13], [sflag:$0x1] =	stream.linear.gather [hbm4b:s10+s3], $0x3E80, $0x38;
	[tilespmem:$0x9580] =	vst v63  }
0xce: {  	_ =	swait.ge [sflag:s21], $0x3E80  }
0xcf: {  	[sflag:s21] =	ssyncset.done $0x0  }
0xd0: {  	[sflag:s21] =	ssyncadd.s32 $0xFFFFC180  }
0xd1: {  	_ =	swait.ge [sflag:s17], $0x3E80  }
0xd2: {  	[sflag:s17] =	ssyncset.done $0x0  }
0xd3: {  	[sflag:s17] =	ssyncadd.s32 $0xFFFFC180  }
0xd4: {  	[spmem:s1] =	stream.indirect.scatter.add.f32 [tilespmem:s13], [sflag:$0x5], $0x80, s24, s18, $0xb8;
	[tilespmem:$0x9580] =	vst v63  }
0xd5: {  	_ =	swait.ge [sflag:s16], $0x3E80  }
0xd6: {  	s26 =	sshll.u32 s2, $0x6;
	s25 =	sadd.s32 $0x1, s25;
	[sflag:s16] =	ssyncset.done $0x0  }
0xd7: {  	s28 =	sshrl.u32 s6, $0x3;
	p0 =	sne.s32 s25, s9;
	[sflag:s16] =	ssyncadd.s32 $0xFFFFC180  }
.Ltmp1:
0xd8: {  	s26 =	sor.u32 $0x1C05, s26;
	[bflag:$0x0] =	sbarrier.arrive $0xFFFF;
	(pc) =	sbr.rel @p0 .LBB2_1-.Ltmp1, $4  }
0xd9: {  	[hbm:s8], [sflag:s26] =	dma.local [spmem:s28], $0x100  }
0xda: {  	_ =	swait.ge [sflag:s16], $0x100  }
0xdb: {  	[sflag:s16] =	ssyncset.done $0x0  }
0xdc: {  	[sflag:s16] =	ssyncadd.s32 $0xFFFFFF00  }
0xdd: {  	_ =	sfence.sel $0x180000  }
0xde: {  	[bflag:$0x0] =	sbarrier.arrive $0xFFFF  }
0xdf: {  	p0 =	sne.s32 s2, $0x0;
	_ =	strace $0x90000047  }
0xe0: {  	s0 =	sadd.s32 @!p0 $0x100000, s0;
	[bflag:$0x2] =	sbarrier.arrive $0xFFFF  }
0xe1: {  	[sflag:s0] =	ssyncadd.tile.s32 @!p0 $0x1;
	_ =	shalt  }
.Lfunc_end2:
_tile_overlayer_lowered:
.L_overlay_start_2:
0xe2: {  	(tag) =	ssettag $0x2  }
0xe3: {  	s0 =	rddreg [dreg:$0x0];
	s2 =	stileid.u32  }
0xe4: {  	s1 =	rddreg [dreg:$0x1];
	p0 =	sne.s32 s2, $0x0  }
0xe5: {  	s3 =	rddreg [dreg:$0x2];
	[bflag:$0x3] =	sbarrier.arrive $0xFFFF;
	s2 =	simm.s32 @!p0 $0x1C05  }
0xe6: {  	[timem:s3], [sflag:s2] =	dma.local @!p0 [hbm:s0], s1  }
0xe7: {  	s0 =	simm.s32 @!p0 $0x5  }
0xe8: {  	_ =	swait.ge @!p0 [sflag:s0], s1  }
0xe9: {  	s1 =	ssub.s32 @!p0 $0x0, s1;
	[sflag:s0] =	ssyncset.done @!p0 $0x0  }
0xea: {  	[sflag:s0] =	ssyncadd.s32 @!p0 s1  }
0xeb: {  	[bflag:$0x3] =	sbarrier.arrive $0xFFFF  }
0xec: {  	_ =	shalt  }

</sc_bundles>
